<compile_context>
chip_gen: v7x
topology: tpu7x:2x2x1
jax: 0.10.2.dev20260603
libtpu: 0.0.44.dev20260713+nightly
codegen_flags: <defaults>
</compile_context>

<pallas_src>
import functools

import jax
import jax.numpy as jnp
from jax import lax
from jax.experimental import pallas as pl
from jax.experimental.pallas import tpu as pltpu
from jax.experimental.pallas import tpu_sc as plsc

N = 10000
E = 320000
D = 128
DH = 64
DE = 4
DEP = 16

NC = 2
NS = 16
NW = NC * NS
CHUNK = 96
CPT = 106
E_PAD = NW * CPT * CHUNK
N_ACC = 10240
RPT = N_ACC // NS
ZB = 80


def _sc_segsum(x2, src2d, dst2d, ea2d):
    mesh = plsc.VectorSubcoreMesh(core_axis_name="c", subcore_axis_name="s")

    slot_scratch = [
        pltpu.VMEM((1, CHUNK), jnp.int32),
        pltpu.VMEM((1, CHUNK), jnp.int32),
        pltpu.VMEM((1, CHUNK), jnp.int32),
        pltpu.VMEM((1, CHUNK), jnp.int32),
        pltpu.VMEM((CHUNK, DH), jnp.float32),
        pltpu.VMEM((CHUNK, DH), jnp.float32),
        pltpu.VMEM((CHUNK, DEP), jnp.float32),
        pltpu.SemaphoreType.DMA,
        pltpu.SemaphoreType.DMA,
        pltpu.SemaphoreType.DMA,
    ]

    @functools.partial(
        pl.kernel,
        out_type=[
            jax.ShapeDtypeStruct((NC * N_ACC, DH), jnp.float32),
            jax.ShapeDtypeStruct((NC * N_ACC, DH), jnp.float32),
            jax.ShapeDtypeStruct((NC * N_ACC, DEP), jnp.float32),
        ],
        mesh=mesh,
        compiler_params=pltpu.CompilerParams(use_tc_tiling_on_sc=False),
        scratch_types=slot_scratch + slot_scratch + [
            pltpu.VMEM_SHARED((N_ACC, DH), jnp.float32),
            pltpu.VMEM_SHARED((N_ACC, DH), jnp.float32),
            pltpu.VMEM_SHARED((N_ACC, DEP), jnp.float32),
        ],
    )
    def k(x_hbm, src_hbm, dst_hbm, ea_hbm, outl_hbm, outr_hbm, oute_hbm,
          *refs):
        src_c = (refs[0], refs[10])
        dst_c = (refs[1], refs[11])
        idxl = (refs[2], refs[12])
        idxr = (refs[3], refs[13])
        rl = (refs[4], refs[14])
        rr = (refs[5], refs[15])
        ea_v = (refs[6], refs[16])
        sem_g = (refs[7], refs[17])
        sem_e = (refs[8], refs[18])
        sem_s = (refs[9], refs[19])
        accl_sh, accr_sh, acce_sh = refs[20], refs[21], refs[22]

        cid = lax.axis_index("c")
        sid = lax.axis_index("s")
        wid = cid * NS + sid

        zero16 = jnp.zeros((16,), jnp.float32)

        def zx(i, _):
            rl[0][i // (DH // 16), pl.ds((i % (DH // 16)) * 16, 16)] = zero16
            return 0
        lax.fori_loop(0, ZB * (DH // 16), zx, 0)

        def ze(i, _):
            ea_v[0][i, pl.ds(0, 16)] = zero16
            return 0
        lax.fori_loop(0, ZB, ze, 0)

        @pl.loop(0, RPT // ZB)
        def zcopy(i):
            r = sid * RPT + i * ZB
            pltpu.sync_copy(rl[0].at[pl.ds(0, ZB)], accl_sh.at[pl.ds(r, ZB)])
            pltpu.sync_copy(rl[0].at[pl.ds(0, ZB)], accr_sh.at[pl.ds(r, ZB)])
            pltpu.sync_copy(ea_v[0].at[pl.ds(0, ZB)], acce_sh.at[pl.ds(r, ZB)])

        plsc.subcore_barrier()

        base = wid * CPT

        @pl.loop(0, CPT // 2)
        def piter(p):
            c0 = base + 2 * p
            gathers = []
            for b in range(2):
                c = c0 + b
                pltpu.sync_copy(src_hbm.at[pl.ds(c, 1)], src_c[b])
                pltpu.sync_copy(dst_hbm.at[pl.ds(c, 1)], dst_c[b])
                for t in range(CHUNK // 16):
                    s = src_c[b][0, pl.ds(t * 16, 16)]
                    s2 = s + s
                    idxl[b][0, pl.ds(t * 16, 16)] = s2
                    idxr[b][0, pl.ds(t * 16, 16)] = s2 + 1
                gathers.append((
                    pltpu.async_copy(x_hbm.at[idxl[b].at[0]], rl[b],
                                     sem_g[b]),
                    pltpu.async_copy(x_hbm.at[idxr[b].at[0]], rr[b],
                                     sem_g[b]),
                    pltpu.async_copy(ea_hbm.at[pl.ds(c * CHUNK, CHUNK)],
                                     ea_v[b], sem_e[b]),
                ))
            scatters = []
            for b in range(2):
                gl, gr, ge = gathers[b]
                gl.wait()
                scatters.append(
                    pltpu.async_copy(rl[b], accl_sh.at[dst_c[b].at[0]],
                                     sem_s[b], add=True))
                gr.wait()
                scatters.append(
                    pltpu.async_copy(rr[b], accr_sh.at[dst_c[b].at[0]],
                                     sem_s[b], add=True))
                ge.wait()
                scatters.append(
                    pltpu.async_copy(ea_v[b], acce_sh.at[dst_c[b].at[0]],
                                     sem_s[b], add=True))
            for sc in scatters:
                sc.wait()

        plsc.subcore_barrier()

        r0 = sid * RPT
        o0 = cid * N_ACC + r0
        pltpu.sync_copy(accl_sh.at[pl.ds(r0, RPT)], outl_hbm.at[pl.ds(o0, RPT)])
        pltpu.sync_copy(accr_sh.at[pl.ds(r0, RPT)], outr_hbm.at[pl.ds(o0, RPT)])
        pltpu.sync_copy(acce_sh.at[pl.ds(r0, RPT)], oute_hbm.at[pl.ds(o0, RPT)])

    return k(x2, src2d, dst2d, ea2d)


def _tc_update(pxl, pxr, pe, x, wm1a, wm1b, wm2, ws, b2d):
    R = 1000

    def body(pxl_ref, pxr_ref, pe_ref, x_ref, wm1a_ref, wm1b_ref, wm2_ref,
             ws_ref, b_ref, o_ref):
        sxl = pxl_ref[0] + pxl_ref[1]
        sxr = pxr_ref[0] + pxr_ref[1]
        se = pe_ref[0] + pe_ref[1]
        acc = jnp.dot(sxl, wm1a_ref[...], preferred_element_type=jnp.float32)
        acc += jnp.dot(sxr, wm1b_ref[...], preferred_element_type=jnp.float32)
        acc += jnp.dot(se, wm2_ref[...], preferred_element_type=jnp.float32)
        acc += jnp.dot(x_ref[...], ws_ref[...],
                       preferred_element_type=jnp.float32)
        acc += b_ref[...]
        o_ref[...] = acc * jax.nn.sigmoid(acc)

    return pl.pallas_call(
        body,
        grid=(N // R,),
        in_specs=[
            pl.BlockSpec((NC, R, DH), lambda i: (0, i, 0)),
            pl.BlockSpec((NC, R, DH), lambda i: (0, i, 0)),
            pl.BlockSpec((NC, R, DEP), lambda i: (0, i, 0)),
            pl.BlockSpec((R, D), lambda i: (i, 0)),
            pl.BlockSpec((DH, D), lambda i: (0, 0)),
            pl.BlockSpec((DH, D), lambda i: (0, 0)),
            pl.BlockSpec((DEP, D), lambda i: (0, 0)),
            pl.BlockSpec((D, D), lambda i: (0, 0)),
            pl.BlockSpec((1, D), lambda i: (0, 0)),
        ],
        out_specs=pl.BlockSpec((R, D), lambda i: (i, 0)),
        out_shape=jax.ShapeDtypeStruct((N, D), jnp.float32),
    )(pxl, pxr, pe, x, wm1a, wm1b, wm2, ws, b2d)


def kernel(x, edge_index, edge_attr, W_msg, W_self, b):
    src = edge_index[0]
    dst = edge_index[1]

    pad = E_PAD - E
    src_p = jnp.concatenate([src, jnp.zeros((pad,), jnp.int32)])
    dst_p = jnp.concatenate([dst, jnp.full((pad,), N, jnp.int32)])
    src2d = src_p.reshape(NW * CPT, CHUNK)
    dst2d = dst_p.reshape(NW * CPT, CHUNK)
    ea2d = jnp.pad(edge_attr, ((0, pad), (0, DEP - DE)))
    x2 = x.reshape(2 * N, DH)

    pxl, pxr, pe = _sc_segsum(x2, src2d, dst2d, ea2d)
    pxl = pxl.reshape(NC, N_ACC, DH)
    pxr = pxr.reshape(NC, N_ACC, DH)
    pe = pe.reshape(NC, N_ACC, DEP)

    wm1a = W_msg[:DH]
    wm1b = W_msg[DH:D]
    wm2 = jnp.pad(W_msg[D:], ((0, DEP - DE), (0, 0)))
    b2d = b.reshape(1, D)
    return _tc_update(pxl, pxr, pe, x, wm1a, wm1b, wm2, W_self, b2d)

# --- scband reference (transcript-rebuilt; emitter-appended) ---
"""Pipeline reference for scband-matter-sim-model-32701880991838 (READ-ONLY COPY).

The authoritative reference and input builder live on the scoring server;
editing this copy changes nothing except your own understanding.
"""

import jax, jax.numpy as jnp
import numpy as np

N = 10000
E = 320000
D = 128
DE = 4


def setup_inputs(seed: int = 0) -> dict:
    key = jax.random.key(seed)
    k1, k2, k3, k4, k5 = jax.random.split(key, 5)
    x = jax.random.normal(k1, (N, D), dtype=jnp.float32)
    edge_index = jax.random.randint(k2, (2, E), 0, N, dtype=jnp.int32)
    edge_attr = jax.random.normal(k3, (E, DE), dtype=jnp.float32)
    # learned parameters sized per init_kwargs (in_channels=128, out_channels=128, edge_dim=4)
    W_msg = jax.random.normal(k4, (D + DE, D), dtype=jnp.float32) * (1.0 / np.sqrt(D + DE))
    W_self = jax.random.normal(k5, (D, D), dtype=jnp.float32) * (1.0 / np.sqrt(D))
    b = jnp.zeros((D,), dtype=jnp.float32)
    return {"x": x, "edge_index": edge_index, "edge_attr": edge_attr,
            "W_msg": W_msg, "W_self": W_self, "b": b}


def reference(x, edge_index, edge_attr, W_msg, W_self, b):
    # Message passing layer (MatterSim-style bond message -> atom aggregation):
    #   message_e = [x[src_e] || edge_attr_e] @ W_msg        (gather on src)
    #   agg_i     = sum_{e: dst_e = i} message_e              (scatter-add on dst)
    #   out_i     = silu(agg_i + x_i @ W_self + b)            (node update)
    src = edge_index[0]
    dst = edge_index[1]
    x_src = jnp.take(x, src, axis=0)                     # gather [E, D]
    msg_in = jnp.concatenate([x_src, edge_attr], axis=1)  # [E, D+DE]
    messages = msg_in @ W_msg                             # [E, D]
    agg = jax.ops.segment_sum(messages, dst, num_segments=x.shape[0])  # scatter-add [N, D]
    out = agg + x @ W_self + b
    return jax.nn.silu(out)

if __name__ == "__main__":
    import jax
    _d = setup_inputs()
    print(jax.jit(kernel)(*tuple(_d.values())))

</pallas_src>

<mosaic_0001>
#map = affine_map<(d0, d1) -> (0, 0)>
module attributes {stable_mosaic.version = 14 : i64} {
  func.func @k(%arg0: i32, %arg1: i32, %arg2: memref<20000x64xf32, #tpu.memory_space<hbm>>, %arg3: memref<3392x96xi32, #tpu.memory_space<hbm>>, %arg4: memref<3392x96xi32, #tpu.memory_space<hbm>>, %arg5: memref<325632x16xf32, #tpu.memory_space<hbm>>, %arg6: memref<20480x64xf32, #tpu.memory_space<hbm>>, %arg7: memref<20480x64xf32, #tpu.memory_space<hbm>>, %arg8: memref<20480x16xf32, #tpu.memory_space<hbm>>, %arg9: memref<1x96xi32, #tpu.memory_space<vmem>>, %arg10: memref<1x96xi32, #tpu.memory_space<vmem>>, %arg11: memref<1x96xi32, #tpu.memory_space<vmem>>, %arg12: memref<1x96xi32, #tpu.memory_space<vmem>>, %arg13: memref<96x64xf32, #tpu.memory_space<vmem>>, %arg14: memref<96x64xf32, #tpu.memory_space<vmem>>, %arg15: memref<96x16xf32, #tpu.memory_space<vmem>>, %arg16: memref<!tpu.dma_semaphore, #tpu.memory_space<semaphore_mem>>, %arg17: memref<!tpu.dma_semaphore, #tpu.memory_space<semaphore_mem>>, %arg18: memref<!tpu.dma_semaphore, #tpu.memory_space<semaphore_mem>>, %arg19: memref<1x96xi32, #tpu.memory_space<vmem>>, %arg20: memref<1x96xi32, #tpu.memory_space<vmem>>, %arg21: memref<1x96xi32, #tpu.memory_space<vmem>>, %arg22: memref<1x96xi32, #tpu.memory_space<vmem>>, %arg23: memref<96x64xf32, #tpu.memory_space<vmem>>, %arg24: memref<96x64xf32, #tpu.memory_space<vmem>>, %arg25: memref<96x16xf32, #tpu.memory_space<vmem>>, %arg26: memref<!tpu.dma_semaphore, #tpu.memory_space<semaphore_mem>>, %arg27: memref<!tpu.dma_semaphore, #tpu.memory_space<semaphore_mem>>, %arg28: memref<!tpu.dma_semaphore, #tpu.memory_space<semaphore_mem>>, %arg29: memref<10240x64xf32, #tpu.memory_space<vmem_shared>>, %arg30: memref<10240x64xf32, #tpu.memory_space<vmem_shared>>, %arg31: memref<10240x16xf32, #tpu.memory_space<vmem_shared>>) attributes {dimension_semantics = [#tpu.dimension_semantics<core_parallel>, #tpu.dimension_semantics<subcore_parallel>], iteration_bounds = array<i64: 2, 16>, scalar_prefetch = 0 : i64, scratch_operands = 23 : i64, tpu.core_type = #tpu.core_type<sc_vector_subcore>, window_params = [{transform_indices = #map}, {transform_indices = #map}, {transform_indices = #map}, {transform_indices = #map}, {transform_indices = #map}, {transform_indices = #map}, {transform_indices = #map}]} {
    %mul3A = arith.constant 16 : i32
    %mul3A_0 = arith.muli %arg0, %mul3A : i32
    %add3A = arith.addi %mul3A_0, %arg1 : i32
    %broadcast_in_dim3A = arith.constant 0.000000e+00 : f32
    %broadcast_in_dim3A_1 = vector.broadcast %broadcast_in_dim3A : f32 to vector<16xf32>
    %scan3A = arith.constant 0 : i32
    %scan3A_2 = arith.constant 0 : i32
    %scan3A_3 = arith.constant 320 : i32
    %scan3A_4 = arith.addi %scan3A_2, %scan3A_3 : i32
    %scan3A_5 = arith.constant 1 : i32
    %scan3A_6 = scf.for %scan3A_33 = %scan3A_2 to %scan3A_4 step %scan3A_5 iter_args(%scan3A_34 = %scan3A) -> (i32)  : i32 {
      %jit3A = arith.constant 4 : i32
      %div3A = arith.divsi %scan3A_33, %jit3A : i32
      %sign3A = arith.constant 0 : i32
      %sign3A_35 = arith.cmpi sgt, %scan3A_33, %sign3A : i32
      %sign3A_36 = arith.extui %sign3A_35 : i1 to i32
      %sign3A_37 = arith.constant 0 : i32
      %sign3A_38 = arith.cmpi slt, %scan3A_33, %sign3A_37 : i32
      %sign3A_39 = arith.extui %sign3A_38 : i1 to i32
      %sign3A_40 = arith.subi %sign3A_36, %sign3A_39 : i32
      %sign3A_41 = arith.constant 0 : i32
      %sign3A_42 = arith.cmpi sgt, %jit3A, %sign3A_41 : i32
      %sign3A_43 = arith.extui %sign3A_42 : i1 to i32
      %sign3A_44 = arith.constant 0 : i32
      %sign3A_45 = arith.cmpi slt, %jit3A, %sign3A_44 : i32
      %sign3A_46 = arith.extui %sign3A_45 : i1 to i32
      %sign3A_47 = arith.subi %sign3A_43, %sign3A_46 : i32
      %ne3A = arith.cmpi ne, %sign3A_40, %sign3A_47 : i32
      %rem3A = arith.remsi %scan3A_33, %jit3A : i32
      %ne3A_48 = arith.constant 0 : i32
      %ne3A_49 = arith.cmpi ne, %rem3A, %ne3A_48 : i32
      %and3A = arith.andi %ne3A, %ne3A_49 : i1
      %sub3A = arith.constant 1 : i32
      %sub3A_50 = arith.subi %div3A, %sub3A : i32
      %select_n3A = arith.select %and3A, %sub3A_50, %div3A : i32
      %jit3A_51 = arith.constant 4 : i32
      %eq3A = arith.constant 0 : i32
      %eq3A_52 = arith.cmpi eq, %jit3A_51, %eq3A : i32
      %jit3A_53 = arith.constant 1 : i32
      %select_n3A_54 = arith.select %eq3A_52, %jit3A_53, %jit3A_51 : i32
      %rem3A_55 = arith.remsi %scan3A_33, %select_n3A_54 : i32
      %ne3A_56 = arith.constant 0 : i32
      %ne3A_57 = arith.cmpi ne, %rem3A_55, %ne3A_56 : i32
      %lt3A = arith.constant 0 : i32
      %lt3A_58 = arith.cmpi slt, %rem3A_55, %lt3A : i32
      %lt3A_59 = arith.constant 0 : i32
      %lt3A_60 = arith.cmpi slt, %select_n3A_54, %lt3A_59 : i32
      %ne3A_61 = arith.xori %lt3A_58, %lt3A_60 : i1
      %and3A_62 = arith.andi %ne3A_61, %ne3A_57 : i1
      %add3A_63 = arith.addi %rem3A_55, %select_n3A_54 : i32
      %select_n3A_64 = arith.select %and3A_62, %add3A_63, %rem3A_55 : i32
      %mul3A_65 = arith.constant 16 : i32
      %mul3A_66 = arith.muli %select_n3A_64, %mul3A_65 : i32
      %swap3A = arith.index_cast %select_n3A : i32 to index
      %swap3A_67 = arith.index_cast %mul3A_66 : i32 to index
      %swap3A_68 = tpu.vector_load %arg13[%swap3A, %swap3A_67] {strides = array<i32>} : memref<96x64xf32, #tpu.memory_space<vmem>>, vector<1x16xf32>,
      %swap3A_69 = vector.shape_cast %swap3A_68 : vector<1x16xf32> to vector<16xf32>
      %swap3A_70 = vector.shape_cast %broadcast_in_dim3A_1 : vector<16xf32> to vector<1x16xf32>
      tpu.vector_store %arg13[%swap3A, %swap3A_67], %swap3A_70 {strides = array<i32>} : memref<96x64xf32, #tpu.memory_space<vmem>>, vector<1x16xf32>,
      %scan3A_71 = arith.constant 0 : i32
      scf.yield %scan3A_71 : i32
    }
    %scan3A_7 = arith.constant 320 : i32
    %scan3A_8 = arith.constant 0 : i32
    %scan3A_9 = arith.constant 0 : i32
    %scan3A_10 = arith.constant 80 : i32
    %scan3A_11 = arith.addi %scan3A_9, %scan3A_10 : i32
    %scan3A_12 = arith.constant 1 : i32
    %scan3A_13 = scf.for %scan3A_33 = %scan3A_9 to %scan3A_11 step %scan3A_12 iter_args(%scan3A_34 = %scan3A_8) -> (i32)  : i32 {
      %swap3A = arith.index_cast %scan3A_33 : i32 to index
      %swap3A_35 = arith.constant 0 : index
      %swap3A_36 = tpu.vector_load %arg15[%swap3A, %swap3A_35] {strides = array<i32>} : memref<96x16xf32, #tpu.memory_space<vmem>>, vector<1x16xf32>,
      %swap3A_37 = vector.shape_cast %swap3A_36 : vector<1x16xf32> to vector<16xf32>
      %swap3A_38 = vector.shape_cast %broadcast_in_dim3A_1 : vector<16xf32> to vector<1x16xf32>
      tpu.vector_store %arg15[%swap3A, %swap3A_35], %swap3A_38 {strides = array<i32>} : memref<96x16xf32, #tpu.memory_space<vmem>>, vector<1x16xf32>,
      %scan3A_39 = arith.constant 0 : i32
      scf.yield %scan3A_39 : i32
    }
    %scan3A_14 = arith.constant 80 : i32
    %scan3A_15 = arith.constant 0 : i32
    %scan3A_16 = arith.constant 8 : i32
    %scan3A_17 = arith.addi %scan3A_15, %scan3A_16 : i32
    %scan3A_18 = arith.constant 1 : i32
    scf.for %scan3A_33 = %scan3A_15 to %scan3A_17 step %scan3A_18  : i32 {
      %mul3A_34 = arith.constant 1 : i32
      %mul3A_35 = arith.muli %scan3A_33, %mul3A_34 : i32
      %add3A_36 = arith.constant 0 : i32
      %add3A_37 = arith.addi %add3A_36, %mul3A_35 : i32
      %mul3A_38 = arith.constant 640 : i32
      %mul3A_39 = arith.muli %arg1, %mul3A_38 : i32
      %mul3A_40 = arith.constant 80 : i32
      %mul3A_41 = arith.muli %add3A_37, %mul3A_40 : i32
      %add3A_42 = arith.addi %mul3A_39, %mul3A_41 : i32
      "tpu.region"() ({
        %run_scoped3A = tpu.sem_alloc : memref<!tpu.dma_semaphore, #tpu.memory_space<semaphore_mem>>
        %dma_start3A = arith.constant 0 : i32
        %dma_start3A_43 = arith.constant 0 : i32
        %dma_start3A_44 = tpu.memref_slice %arg13[%dma_start3A, %dma_start3A_43] : memref<96x64xf32, #tpu.memory_space<vmem>> -> memref<80x64xf32, #tpu.memory_space<vmem>>
        %dma_start3A_45 = arith.constant 0 : i32
        %dma_start3A_46 = tpu.memref_slice %arg29[%add3A_42, %dma_start3A_45] : memref<10240x64xf32, #tpu.memory_space<vmem_shared>> -> memref<80x64xf32, #tpu.memory_space<vmem_shared>>
        %dma_start3A_47 = arith.constant 0 : i32
        %dma_start3A_48 = tpu.memref_slice %arg29[%add3A_42, %dma_start3A_47] : memref<10240x64xf32, #tpu.memory_space<vmem_shared>> -> memref<80x64xf32, #tpu.memory_space<vmem_shared>>
        %dma_start3A_49 = arith.constant 0 : i32
        %dma_start3A_50 = arith.constant 0 : i32
        %dma_start3A_51 = tpu.memref_slice %arg13[%dma_start3A_49, %dma_start3A_50] : memref<96x64xf32, #tpu.memory_space<vmem>> -> memref<80x64xf32, #tpu.memory_space<vmem>>
        tpu.enqueue_dma source(%dma_start3A_51 : memref<80x64xf32, #tpu.memory_space<vmem>>) target(%dma_start3A_48 : memref<80x64xf32, #tpu.memory_space<vmem_shared>>) target_semaphore(%run_scoped3A : memref<!tpu.dma_semaphore, #tpu.memory_space<semaphore_mem>>)
        %dma_wait3A = arith.constant 0 : i32
        %dma_wait3A_52 = arith.constant 0 : i32
        %dma_wait3A_53 = tpu.memref_slice %arg13[%dma_wait3A, %dma_wait3A_52] : memref<96x64xf32, #tpu.memory_space<vmem>> -> memref<80x64xf32, #tpu.memory_space<vmem>>
        %dma_wait3A_54 = arith.constant 0 : i32
        %dma_wait3A_55 = tpu.memref_slice %arg29[%add3A_42, %dma_wait3A_54] : memref<10240x64xf32, #tpu.memory_space<vmem_shared>> -> memref<80x64xf32, #tpu.memory_space<vmem_shared>>
        %dma_wait3A_56 = arith.constant 0 : i32
        %dma_wait3A_57 = tpu.memref_slice %arg29[%add3A_42, %dma_wait3A_56] : memref<10240x64xf32, #tpu.memory_space<vmem_shared>> -> memref<80x64xf32, #tpu.memory_space<vmem_shared>>
        %dma_wait3A_58 = arith.constant 0 : i32
        %dma_wait3A_59 = arith.constant 0 : i32
        %dma_wait3A_60 = tpu.memref_slice %arg13[%dma_wait3A_58, %dma_wait3A_59] : memref<96x64xf32, #tpu.memory_space<vmem>> -> memref<80x64xf32, #tpu.memory_space<vmem>>
        tpu.wait_dma2 semaphore(%run_scoped3A : memref<!tpu.dma_semaphore, #tpu.memory_space<semaphore_mem>>) src(%dma_wait3A_60 : memref<80x64xf32, #tpu.memory_space<vmem>>) dst(%dma_wait3A_57 : memref<80x64xf32, #tpu.memory_space<vmem_shared>>)
        tpu.yield
      }) : () -> ()
      "tpu.region"() ({
        %run_scoped3A = tpu.sem_alloc : memref<!tpu.dma_semaphore, #tpu.memory_space<semaphore_mem>>
        %dma_start3A = arith.constant 0 : i32
        %dma_start3A_43 = arith.constant 0 : i32
        %dma_start3A_44 = tpu.memref_slice %arg13[%dma_start3A, %dma_start3A_43] : memref<96x64xf32, #tpu.memory_space<vmem>> -> memref<80x64xf32, #tpu.memory_space<vmem>>
        %dma_start3A_45 = arith.constant 0 : i32
        %dma_start3A_46 = tpu.memref_slice %arg30[%add3A_42, %dma_start3A_45] : memref<10240x64xf32, #tpu.memory_space<vmem_shared>> -> memref<80x64xf32, #tpu.memory_space<vmem_shared>>
        %dma_start3A_47 = arith.constant 0 : i32
        %dma_start3A_48 = tpu.memref_slice %arg30[%add3A_42, %dma_start3A_47] : memref<10240x64xf32, #tpu.memory_space<vmem_shared>> -> memref<80x64xf32, #tpu.memory_space<vmem_shared>>
        %dma_start3A_49 = arith.constant 0 : i32
        %dma_start3A_50 = arith.constant 0 : i32
        %dma_start3A_51 = tpu.memref_slice %arg13[%dma_start3A_49, %dma_start3A_50] : memref<96x64xf32, #tpu.memory_space<vmem>> -> memref<80x64xf32, #tpu.memory_space<vmem>>
        tpu.enqueue_dma source(%dma_start3A_51 : memref<80x64xf32, #tpu.memory_space<vmem>>) target(%dma_start3A_48 : memref<80x64xf32, #tpu.memory_space<vmem_shared>>) target_semaphore(%run_scoped3A : memref<!tpu.dma_semaphore, #tpu.memory_space<semaphore_mem>>)
        %dma_wait3A = arith.constant 0 : i32
        %dma_wait3A_52 = arith.constant 0 : i32
        %dma_wait3A_53 = tpu.memref_slice %arg13[%dma_wait3A, %dma_wait3A_52] : memref<96x64xf32, #tpu.memory_space<vmem>> -> memref<80x64xf32, #tpu.memory_space<vmem>>
        %dma_wait3A_54 = arith.constant 0 : i32
        %dma_wait3A_55 = tpu.memref_slice %arg30[%add3A_42, %dma_wait3A_54] : memref<10240x64xf32, #tpu.memory_space<vmem_shared>> -> memref<80x64xf32, #tpu.memory_space<vmem_shared>>
        %dma_wait3A_56 = arith.constant 0 : i32
        %dma_wait3A_57 = tpu.memref_slice %arg30[%add3A_42, %dma_wait3A_56] : memref<10240x64xf32, #tpu.memory_space<vmem_shared>> -> memref<80x64xf32, #tpu.memory_space<vmem_shared>>
        %dma_wait3A_58 = arith.constant 0 : i32
        %dma_wait3A_59 = arith.constant 0 : i32
        %dma_wait3A_60 = tpu.memref_slice %arg13[%dma_wait3A_58, %dma_wait3A_59] : memref<96x64xf32, #tpu.memory_space<vmem>> -> memref<80x64xf32, #tpu.memory_space<vmem>>
        tpu.wait_dma2 semaphore(%run_scoped3A : memref<!tpu.dma_semaphore, #tpu.memory_space<semaphore_mem>>) src(%dma_wait3A_60 : memref<80x64xf32, #tpu.memory_space<vmem>>) dst(%dma_wait3A_57 : memref<80x64xf32, #tpu.memory_space<vmem_shared>>)
        tpu.yield
      }) : () -> ()
      "tpu.region"() ({
        %run_scoped3A = tpu.sem_alloc : memref<!tpu.dma_semaphore, #tpu.memory_space<semaphore_mem>>
        %dma_start3A = arith.constant 0 : i32
        %dma_start3A_43 = arith.constant 0 : i32
        %dma_start3A_44 = tpu.memref_slice %arg15[%dma_start3A, %dma_start3A_43] : memref<96x16xf32, #tpu.memory_space<vmem>> -> memref<80x16xf32, #tpu.memory_space<vmem>>
        %dma_start3A_45 = arith.constant 0 : i32
        %dma_start3A_46 = tpu.memref_slice %arg31[%add3A_42, %dma_start3A_45] : memref<10240x16xf32, #tpu.memory_space<vmem_shared>> -> memref<80x16xf32, #tpu.memory_space<vmem_shared>>
        %dma_start3A_47 = arith.constant 0 : i32
        %dma_start3A_48 = tpu.memref_slice %arg31[%add3A_42, %dma_start3A_47] : memref<10240x16xf32, #tpu.memory_space<vmem_shared>> -> memref<80x16xf32, #tpu.memory_space<vmem_shared>>
        %dma_start3A_49 = arith.constant 0 : i32
        %dma_start3A_50 = arith.constant 0 : i32
        %dma_start3A_51 = tpu.memref_slice %arg15[%dma_start3A_49, %dma_start3A_50] : memref<96x16xf32, #tpu.memory_space<vmem>> -> memref<80x16xf32, #tpu.memory_space<vmem>>
        tpu.enqueue_dma source(%dma_start3A_51 : memref<80x16xf32, #tpu.memory_space<vmem>>) target(%dma_start3A_48 : memref<80x16xf32, #tpu.memory_space<vmem_shared>>) target_semaphore(%run_scoped3A : memref<!tpu.dma_semaphore, #tpu.memory_space<semaphore_mem>>)
        %dma_wait3A = arith.constant 0 : i32
        %dma_wait3A_52 = arith.constant 0 : i32
        %dma_wait3A_53 = tpu.memref_slice %arg15[%dma_wait3A, %dma_wait3A_52] : memref<96x16xf32, #tpu.memory_space<vmem>> -> memref<80x16xf32, #tpu.memory_space<vmem>>
        %dma_wait3A_54 = arith.constant 0 : i32
        %dma_wait3A_55 = tpu.memref_slice %arg31[%add3A_42, %dma_wait3A_54] : memref<10240x16xf32, #tpu.memory_space<vmem_shared>> -> memref<80x16xf32, #tpu.memory_space<vmem_shared>>
        %dma_wait3A_56 = arith.constant 0 : i32
        %dma_wait3A_57 = tpu.memref_slice %arg31[%add3A_42, %dma_wait3A_56] : memref<10240x16xf32, #tpu.memory_space<vmem_shared>> -> memref<80x16xf32, #tpu.memory_space<vmem_shared>>
        %dma_wait3A_58 = arith.constant 0 : i32
        %dma_wait3A_59 = arith.constant 0 : i32
        %dma_wait3A_60 = tpu.memref_slice %arg15[%dma_wait3A_58, %dma_wait3A_59] : memref<96x16xf32, #tpu.memory_space<vmem>> -> memref<80x16xf32, #tpu.memory_space<vmem>>
        tpu.wait_dma2 semaphore(%run_scoped3A : memref<!tpu.dma_semaphore, #tpu.memory_space<semaphore_mem>>) src(%dma_wait3A_60 : memref<80x16xf32, #tpu.memory_space<vmem>>) dst(%dma_wait3A_57 : memref<80x16xf32, #tpu.memory_space<vmem_shared>>)
        tpu.yield
      }) : () -> ()
    }
    %scan3A_19 = arith.constant 8 : i32
    %barrier3A = arith.constant 0 : index
    tpu.barrier barrier_id(%barrier3A)
    %mul3A_20 = arith.constant 106 : i32
    %mul3A_21 = arith.muli %add3A, %mul3A_20 : i32
    %scan3A_22 = arith.constant 0 : i32
    %scan3A_23 = arith.constant 53 : i32
    %scan3A_24 = arith.addi %scan3A_22, %scan3A_23 : i32
    %scan3A_25 = arith.constant 1 : i32
    scf.for %scan3A_33 = %scan3A_22 to %scan3A_24 step %scan3A_25  : i32 {
      %mul3A_34 = arith.constant 1 : i32
      %mul3A_35 = arith.muli %scan3A_33, %mul3A_34 : i32
      %add3A_36 = arith.constant 0 : i32
      %add3A_37 = arith.addi %add3A_36, %mul3A_35 : i32
      %mul3A_38 = arith.constant 2 : i32
      %mul3A_39 = arith.muli %mul3A_38, %add3A_37 : i32
      %add3A_40 = arith.addi %mul3A_21, %mul3A_39 : i32
      %add3A_41 = arith.constant 0 : i32
      %add3A_42 = arith.addi %add3A_40, %add3A_41 : i32
      "tpu.region"() ({
        %run_scoped3A = tpu.sem_alloc : memref<!tpu.dma_semaphore, #tpu.memory_space<semaphore_mem>>
        %dma_start3A_453 = arith.constant 0 : i32
        %dma_start3A_454 = tpu.memref_slice %arg3[%add3A_42, %dma_start3A_453] : memref<3392x96xi32, #tpu.memory_space<hbm>> -> memref<1x96xi32, #tpu.memory_space<hbm>>
        %dma_start3A_455 = arith.constant 0 : i32
        %dma_start3A_456 = tpu.memref_slice %arg3[%add3A_42, %dma_start3A_455] : memref<3392x96xi32, #tpu.memory_space<hbm>> -> memref<1x96xi32, #tpu.memory_space<hbm>>
        tpu.enqueue_dma source(%dma_start3A_456 : memref<1x96xi32, #tpu.memory_space<hbm>>) target(%arg9 : memref<1x96xi32, #tpu.memory_space<vmem>>) target_semaphore(%run_scoped3A : memref<!tpu.dma_semaphore, #tpu.memory_space<semaphore_mem>>)
        %dma_wait3A_457 = arith.constant 0 : i32
        %dma_wait3A_458 = tpu.memref_slice %arg3[%add3A_42, %dma_wait3A_457] : memref<3392x96xi32, #tpu.memory_space<hbm>> -> memref<1x96xi32, #tpu.memory_space<hbm>>
        %dma_wait3A_459 = arith.constant 0 : i32
        %dma_wait3A_460 = tpu.memref_slice %arg3[%add3A_42, %dma_wait3A_459] : memref<3392x96xi32, #tpu.memory_space<hbm>> -> memref<1x96xi32, #tpu.memory_space<hbm>>
        tpu.wait_dma2 semaphore(%run_scoped3A : memref<!tpu.dma_semaphore, #tpu.memory_space<semaphore_mem>>) src(%dma_wait3A_460 : memref<1x96xi32, #tpu.memory_space<hbm>>) dst(%arg9 : memref<1x96xi32, #tpu.memory_space<vmem>>)
        tpu.yield
      }) : () -> ()
      "tpu.region"() ({
        %run_scoped3A = tpu.sem_alloc : memref<!tpu.dma_semaphore, #tpu.memory_space<semaphore_mem>>
        %dma_start3A_453 = arith.constant 0 : i32
        %dma_start3A_454 = tpu.memref_slice %arg4[%add3A_42, %dma_start3A_453] : memref<3392x96xi32, #tpu.memory_space<hbm>> -> memref<1x96xi32, #tpu.memory_space<hbm>>
        %dma_start3A_455 = arith.constant 0 : i32
        %dma_start3A_456 = tpu.memref_slice %arg4[%add3A_42, %dma_start3A_455] : memref<3392x96xi32, #tpu.memory_space<hbm>> -> memref<1x96xi32, #tpu.memory_space<hbm>>
        tpu.enqueue_dma source(%dma_start3A_456 : memref<1x96xi32, #tpu.memory_space<hbm>>) target(%arg10 : memref<1x96xi32, #tpu.memory_space<vmem>>) target_semaphore(%run_scoped3A : memref<!tpu.dma_semaphore, #tpu.memory_space<semaphore_mem>>)
        %dma_wait3A_457 = arith.constant 0 : i32
        %dma_wait3A_458 = tpu.memref_slice %arg4[%add3A_42, %dma_wait3A_457] : memref<3392x96xi32, #tpu.memory_space<hbm>> -> memref<1x96xi32, #tpu.memory_space<hbm>>
        %dma_wait3A_459 = arith.constant 0 : i32
        %dma_wait3A_460 = tpu.memref_slice %arg4[%add3A_42, %dma_wait3A_459] : memref<3392x96xi32, #tpu.memory_space<hbm>> -> memref<1x96xi32, #tpu.memory_space<hbm>>
        tpu.wait_dma2 semaphore(%run_scoped3A : memref<!tpu.dma_semaphore, #tpu.memory_space<semaphore_mem>>) src(%dma_wait3A_460 : memref<1x96xi32, #tpu.memory_space<hbm>>) dst(%arg10 : memref<1x96xi32, #tpu.memory_space<vmem>>)
        tpu.yield
      }) : () -> ()
      %get3A = arith.constant 0 : i32
      %get3A_43 = arith.index_cast %get3A : i32 to index
      %get3A_44 = arith.constant 0 : index
      %get3A_45 = tpu.vector_load %arg9[%get3A_43, %get3A_44] {strides = array<i32>} : memref<1x96xi32, #tpu.memory_space<vmem>>, vector<1x16xi32>,
      %get3A_46 = vector.shape_cast %get3A_45 : vector<1x16xi32> to vector<16xi32>
      %add3A_47 = arith.addi %get3A_46, %get3A_46 : vector<16xi32>
      %swap3A = arith.constant 0 : i32
      %swap3A_48 = arith.index_cast %swap3A : i32 to index
      %swap3A_49 = arith.constant 0 : index
      %swap3A_50 = tpu.vector_load %arg11[%swap3A_48, %swap3A_49] {strides = array<i32>} : memref<1x96xi32, #tpu.memory_space<vmem>>, vector<1x16xi32>,
      %swap3A_51 = vector.shape_cast %swap3A_50 : vector<1x16xi32> to vector<16xi32>
      %swap3A_52 = vector.shape_cast %add3A_47 : vector<16xi32> to vector<1x16xi32>
      tpu.vector_store %arg11[%swap3A_48, %swap3A_49], %swap3A_52 {strides = array<i32>} : memref<1x96xi32, #tpu.memory_space<vmem>>, vector<1x16xi32>,
      %add3A_53 = arith.constant 1 : i32
      %add3A_54 = vector.broadcast %add3A_53 : i32 to vector<16xi32>
      %add3A_55 = arith.addi %add3A_47, %add3A_54 : vector<16xi32>
      %swap3A_56 = arith.constant 0 : i32
      %swap3A_57 = arith.index_cast %swap3A_56 : i32 to index
      %swap3A_58 = arith.constant 0 : index
      %swap3A_59 = tpu.vector_load %arg12[%swap3A_57, %swap3A_58] {strides = array<i32>} : memref<1x96xi32, #tpu.memory_space<vmem>>, vector<1x16xi32>,
      %swap3A_60 = vector.shape_cast %swap3A_59 : vector<1x16xi32> to vector<16xi32>
      %swap3A_61 = vector.shape_cast %add3A_55 : vector<16xi32> to vector<1x16xi32>
      tpu.vector_store %arg12[%swap3A_57, %swap3A_58], %swap3A_61 {strides = array<i32>} : memref<1x96xi32, #tpu.memory_space<vmem>>, vector<1x16xi32>,
      %get3A_62 = arith.constant 0 : i32
      %get3A_63 = arith.index_cast %get3A_62 : i32 to index
      %get3A_64 = arith.constant 16 : index
      %get3A_65 = tpu.vector_load %arg9[%get3A_63, %get3A_64] {strides = array<i32>} : memref<1x96xi32, #tpu.memory_space<vmem>>, vector<1x16xi32>,
      %get3A_66 = vector.shape_cast %get3A_65 : vector<1x16xi32> to vector<16xi32>
      %add3A_67 = arith.addi %get3A_66, %get3A_66 : vector<16xi32>
      %swap3A_68 = arith.constant 0 : i32
      %swap3A_69 = arith.index_cast %swap3A_68 : i32 to index
      %swap3A_70 = arith.constant 16 : index
      %swap3A_71 = tpu.vector_load %arg11[%swap3A_69, %swap3A_70] {strides = array<i32>} : memref<1x96xi32, #tpu.memory_space<vmem>>, vector<1x16xi32>,
      %swap3A_72 = vector.shape_cast %swap3A_71 : vector<1x16xi32> to vector<16xi32>
      %swap3A_73 = vector.shape_cast %add3A_67 : vector<16xi32> to vector<1x16xi32>
      tpu.vector_store %arg11[%swap3A_69, %swap3A_70], %swap3A_73 {strides = array<i32>} : memref<1x96xi32, #tpu.memory_space<vmem>>, vector<1x16xi32>,
      %add3A_74 = arith.constant 1 : i32
      %add3A_75 = vector.broadcast %add3A_74 : i32 to vector<16xi32>
      %add3A_76 = arith.addi %add3A_67, %add3A_75 : vector<16xi32>
      %swap3A_77 = arith.constant 0 : i32
      %swap3A_78 = arith.index_cast %swap3A_77 : i32 to index
      %swap3A_79 = arith.constant 16 : index
      %swap3A_80 = tpu.vector_load %arg12[%swap3A_78, %swap3A_79] {strides = array<i32>} : memref<1x96xi32, #tpu.memory_space<vmem>>, vector<1x16xi32>,
      %swap3A_81 = vector.shape_cast %swap3A_80 : vector<1x16xi32> to vector<16xi32>
      %swap3A_82 = vector.shape_cast %add3A_76 : vector<16xi32> to vector<1x16xi32>
      tpu.vector_store %arg12[%swap3A_78, %swap3A_79], %swap3A_82 {strides = array<i32>} : memref<1x96xi32, #tpu.memory_space<vmem>>, vector<1x16xi32>,
      %get3A_83 = arith.constant 0 : i32
      %get3A_84 = arith.index_cast %get3A_83 : i32 to index
      %get3A_85 = arith.constant 32 : index
      %get3A_86 = tpu.vector_load %arg9[%get3A_84, %get3A_85] {strides = array<i32>} : memref<1x96xi32, #tpu.memory_space<vmem>>, vector<1x16xi32>,
      %get3A_87 = vector.shape_cast %get3A_86 : vector<1x16xi32> to vector<16xi32>
      %add3A_88 = arith.addi %get3A_87, %get3A_87 : vector<16xi32>
      %swap3A_89 = arith.constant 0 : i32
      %swap3A_90 = arith.index_cast %swap3A_89 : i32 to index
      %swap3A_91 = arith.constant 32 : index
      %swap3A_92 = tpu.vector_load %arg11[%swap3A_90, %swap3A_91] {strides = array<i32>} : memref<1x96xi32, #tpu.memory_space<vmem>>, vector<1x16xi32>,
      %swap3A_93 = vector.shape_cast %swap3A_92 : vector<1x16xi32> to vector<16xi32>
      %swap3A_94 = vector.shape_cast %add3A_88 : vector<16xi32> to vector<1x16xi32>
      tpu.vector_store %arg11[%swap3A_90, %swap3A_91], %swap3A_94 {strides = array<i32>} : memref<1x96xi32, #tpu.memory_space<vmem>>, vector<1x16xi32>,
      %add3A_95 = arith.constant 1 : i32
      %add3A_96 = vector.broadcast %add3A_95 : i32 to vector<16xi32>
      %add3A_97 = arith.addi %add3A_88, %add3A_96 : vector<16xi32>
      %swap3A_98 = arith.constant 0 : i32
      %swap3A_99 = arith.index_cast %swap3A_98 : i32 to index
      %swap3A_100 = arith.constant 32 : index
      %swap3A_101 = tpu.vector_load %arg12[%swap3A_99, %swap3A_100] {strides = array<i32>} : memref<1x96xi32, #tpu.memory_space<vmem>>, vector<1x16xi32>,
      %swap3A_102 = vector.shape_cast %swap3A_101 : vector<1x16xi32> to vector<16xi32>
      %swap3A_103 = vector.shape_cast %add3A_97 : vector<16xi32> to vector<1x16xi32>
      tpu.vector_store %arg12[%swap3A_99, %swap3A_100], %swap3A_103 {strides = array<i32>} : memref<1x96xi32, #tpu.memory_space<vmem>>, vector<1x16xi32>,
      %get3A_104 = arith.constant 0 : i32
      %get3A_105 = arith.index_cast %get3A_104 : i32 to index
      %get3A_106 = arith.constant 48 : index
      %get3A_107 = tpu.vector_load %arg9[%get3A_105, %get3A_106] {strides = array<i32>} : memref<1x96xi32, #tpu.memory_space<vmem>>, vector<1x16xi32>,
      %get3A_108 = vector.shape_cast %get3A_107 : vector<1x16xi32> to vector<16xi32>
      %add3A_109 = arith.addi %get3A_108, %get3A_108 : vector<16xi32>
      %swap3A_110 = arith.constant 0 : i32
      %swap3A_111 = arith.index_cast %swap3A_110 : i32 to index
      %swap3A_112 = arith.constant 48 : index
      %swap3A_113 = tpu.vector_load %arg11[%swap3A_111, %swap3A_112] {strides = array<i32>} : memref<1x96xi32, #tpu.memory_space<vmem>>, vector<1x16xi32>,
      %swap3A_114 = vector.shape_cast %swap3A_113 : vector<1x16xi32> to vector<16xi32>
      %swap3A_115 = vector.shape_cast %add3A_109 : vector<16xi32> to vector<1x16xi32>
      tpu.vector_store %arg11[%swap3A_111, %swap3A_112], %swap3A_115 {strides = array<i32>} : memref<1x96xi32, #tpu.memory_space<vmem>>, vector<1x16xi32>,
      %add3A_116 = arith.constant 1 : i32
      %add3A_117 = vector.broadcast %add3A_116 : i32 to vector<16xi32>
      %add3A_118 = arith.addi %add3A_109, %add3A_117 : vector<16xi32>
      %swap3A_119 = arith.constant 0 : i32
      %swap3A_120 = arith.index_cast %swap3A_119 : i32 to index
      %swap3A_121 = arith.constant 48 : index
      %swap3A_122 = tpu.vector_load %arg12[%swap3A_120, %swap3A_121] {strides = array<i32>} : memref<1x96xi32, #tpu.memory_space<vmem>>, vector<1x16xi32>,
      %swap3A_123 = vector.shape_cast %swap3A_122 : vector<1x16xi32> to vector<16xi32>
      %swap3A_124 = vector.shape_cast %add3A_118 : vector<16xi32> to vector<1x16xi32>
      tpu.vector_store %arg12[%swap3A_120, %swap3A_121], %swap3A_124 {strides = array<i32>} : memref<1x96xi32, #tpu.memory_space<vmem>>, vector<1x16xi32>,
      %get3A_125 = arith.constant 0 : i32
      %get3A_126 = arith.index_cast %get3A_125 : i32 to index
      %get3A_127 = arith.constant 64 : index
      %get3A_128 = tpu.vector_load %arg9[%get3A_126, %get3A_127] {strides = array<i32>} : memref<1x96xi32, #tpu.memory_space<vmem>>, vector<1x16xi32>,
      %get3A_129 = vector.shape_cast %get3A_128 : vector<1x16xi32> to vector<16xi32>
      %add3A_130 = arith.addi %get3A_129, %get3A_129 : vector<16xi32>
      %swap3A_131 = arith.constant 0 : i32
      %swap3A_132 = arith.index_cast %swap3A_131 : i32 to index
      %swap3A_133 = arith.constant 64 : index
      %swap3A_134 = tpu.vector_load %arg11[%swap3A_132, %swap3A_133] {strides = array<i32>} : memref<1x96xi32, #tpu.memory_space<vmem>>, vector<1x16xi32>,
      %swap3A_135 = vector.shape_cast %swap3A_134 : vector<1x16xi32> to vector<16xi32>
      %swap3A_136 = vector.shape_cast %add3A_130 : vector<16xi32> to vector<1x16xi32>
      tpu.vector_store %arg11[%swap3A_132, %swap3A_133], %swap3A_136 {strides = array<i32>} : memref<1x96xi32, #tpu.memory_space<vmem>>, vector<1x16xi32>,
      %add3A_137 = arith.constant 1 : i32
      %add3A_138 = vector.broadcast %add3A_137 : i32 to vector<16xi32>
      %add3A_139 = arith.addi %add3A_130, %add3A_138 : vector<16xi32>
      %swap3A_140 = arith.constant 0 : i32
      %swap3A_141 = arith.index_cast %swap3A_140 : i32 to index
      %swap3A_142 = arith.constant 64 : index
      %swap3A_143 = tpu.vector_load %arg12[%swap3A_141, %swap3A_142] {strides = array<i32>} : memref<1x96xi32, #tpu.memory_space<vmem>>, vector<1x16xi32>,
      %swap3A_144 = vector.shape_cast %swap3A_143 : vector<1x16xi32> to vector<16xi32>
      %swap3A_145 = vector.shape_cast %add3A_139 : vector<16xi32> to vector<1x16xi32>
      tpu.vector_store %arg12[%swap3A_141, %swap3A_142], %swap3A_145 {strides = array<i32>} : memref<1x96xi32, #tpu.memory_space<vmem>>, vector<1x16xi32>,
      %get3A_146 = arith.constant 0 : i32
      %get3A_147 = arith.index_cast %get3A_146 : i32 to index
      %get3A_148 = arith.constant 80 : index
      %get3A_149 = tpu.vector_load %arg9[%get3A_147, %get3A_148] {strides = array<i32>} : memref<1x96xi32, #tpu.memory_space<vmem>>, vector<1x16xi32>,
      %get3A_150 = vector.shape_cast %get3A_149 : vector<1x16xi32> to vector<16xi32>
      %add3A_151 = arith.addi %get3A_150, %get3A_150 : vector<16xi32>
      %swap3A_152 = arith.constant 0 : i32
      %swap3A_153 = arith.index_cast %swap3A_152 : i32 to index
      %swap3A_154 = arith.constant 80 : index
      %swap3A_155 = tpu.vector_load %arg11[%swap3A_153, %swap3A_154] {strides = array<i32>} : memref<1x96xi32, #tpu.memory_space<vmem>>, vector<1x16xi32>,
      %swap3A_156 = vector.shape_cast %swap3A_155 : vector<1x16xi32> to vector<16xi32>
      %swap3A_157 = vector.shape_cast %add3A_151 : vector<16xi32> to vector<1x16xi32>
      tpu.vector_store %arg11[%swap3A_153, %swap3A_154], %swap3A_157 {strides = array<i32>} : memref<1x96xi32, #tpu.memory_space<vmem>>, vector<1x16xi32>,
      %add3A_158 = arith.constant 1 : i32
      %add3A_159 = vector.broadcast %add3A_158 : i32 to vector<16xi32>
      %add3A_160 = arith.addi %add3A_151, %add3A_159 : vector<16xi32>
      %swap3A_161 = arith.constant 0 : i32
      %swap3A_162 = arith.index_cast %swap3A_161 : i32 to index
      %swap3A_163 = arith.constant 80 : index
      %swap3A_164 = tpu.vector_load %arg12[%swap3A_162, %swap3A_163] {strides = array<i32>} : memref<1x96xi32, #tpu.memory_space<vmem>>, vector<1x16xi32>,
      %swap3A_165 = vector.shape_cast %swap3A_164 : vector<1x16xi32> to vector<16xi32>
      %swap3A_166 = vector.shape_cast %add3A_160 : vector<16xi32> to vector<1x16xi32>
      tpu.vector_store %arg12[%swap3A_162, %swap3A_163], %swap3A_166 {strides = array<i32>} : memref<1x96xi32, #tpu.memory_space<vmem>>, vector<1x16xi32>,
      %dma_start3A = arith.constant 0 : i32
      %dma_start3A_167 = arith.constant 0 : i32
      %dma_start3A_168 = tpu.memref_slice %arg11[%dma_start3A, %dma_start3A_167] : memref<1x96xi32, #tpu.memory_space<vmem>> -> memref<1x96xi32, #tpu.memory_space<vmem>>
      %dma_start3A_169 = tpu.memref_squeeze %dma_start3A_168 : memref<1x96xi32, #tpu.memory_space<vmem>> -> memref<96xi32, #tpu.memory_space<vmem>>
      %dma_start3A_170 = arith.constant 0 : i32
      %dma_start3A_171 = arith.constant 0 : i32
      %dma_start3A_172 = tpu.memref_slice %arg2[%dma_start3A_170, %dma_start3A_171] : memref<20000x64xf32, #tpu.memory_space<hbm>> -> memref<20000x64xf32, #tpu.memory_space<hbm>>
      tpu.enqueue_indirect_dma source(%dma_start3A_172 : memref<20000x64xf32, #tpu.memory_space<hbm>>) target(%arg13 : memref<96x64xf32, #tpu.memory_space<vmem>>) offsets(%dma_start3A_169 : memref<96xi32, #tpu.memory_space<vmem>>) semaphore(%arg16 : memref<!tpu.dma_semaphore, #tpu.memory_space<semaphore_mem>>)
      %dma_start3A_173 = arith.constant 0 : i32
      %dma_start3A_174 = arith.constant 0 : i32
      %dma_start3A_175 = tpu.memref_slice %arg12[%dma_start3A_173, %dma_start3A_174] : memref<1x96xi32, #tpu.memory_space<vmem>> -> memref<1x96xi32, #tpu.memory_space<vmem>>
      %dma_start3A_176 = tpu.memref_squeeze %dma_start3A_175 : memref<1x96xi32, #tpu.memory_space<vmem>> -> memref<96xi32, #tpu.memory_space<vmem>>
      %dma_start3A_177 = arith.constant 0 : i32
      %dma_start3A_178 = arith.constant 0 : i32
      %dma_start3A_179 = tpu.memref_slice %arg2[%dma_start3A_177, %dma_start3A_178] : memref<20000x64xf32, #tpu.memory_space<hbm>> -> memref<20000x64xf32, #tpu.memory_space<hbm>>
      tpu.enqueue_indirect_dma source(%dma_start3A_179 : memref<20000x64xf32, #tpu.memory_space<hbm>>) target(%arg14 : memref<96x64xf32, #tpu.memory_space<vmem>>) offsets(%dma_start3A_176 : memref<96xi32, #tpu.memory_space<vmem>>) semaphore(%arg16 : memref<!tpu.dma_semaphore, #tpu.memory_space<semaphore_mem>>)
      %mul3A_180 = arith.constant 96 : i32
      %mul3A_181 = arith.muli %add3A_42, %mul3A_180 : i32
      %dma_start3A_182 = arith.constant 0 : i32
      %dma_start3A_183 = tpu.memref_slice %arg5[%mul3A_181, %dma_start3A_182] : memref<325632x16xf32, #tpu.memory_space<hbm>> -> memref<96x16xf32, #tpu.memory_space<hbm>>
      %dma_start3A_184 = arith.constant 0 : i32
      %dma_start3A_185 = tpu.memref_slice %arg5[%mul3A_181, %dma_start3A_184] : memref<325632x16xf32, #tpu.memory_space<hbm>> -> memref<96x16xf32, #tpu.memory_space<hbm>>
      tpu.enqueue_dma source(%dma_start3A_185 : memref<96x16xf32, #tpu.memory_space<hbm>>) target(%arg15 : memref<96x16xf32, #tpu.memory_space<vmem>>) target_semaphore(%arg17 : memref<!tpu.dma_semaphore, #tpu.memory_space<semaphore_mem>>)
      %add3A_186 = arith.constant 1 : i32
      %add3A_187 = arith.addi %add3A_40, %add3A_186 : i32
      "tpu.region"() ({
        %run_scoped3A = tpu.sem_alloc : memref<!tpu.dma_semaphore, #tpu.memory_space<semaphore_mem>>
        %dma_start3A_453 = arith.constant 0 : i32
        %dma_start3A_454 = tpu.memref_slice %arg3[%add3A_187, %dma_start3A_453] : memref<3392x96xi32, #tpu.memory_space<hbm>> -> memref<1x96xi32, #tpu.memory_space<hbm>>
        %dma_start3A_455 = arith.constant 0 : i32
        %dma_start3A_456 = tpu.memref_slice %arg3[%add3A_187, %dma_start3A_455] : memref<3392x96xi32, #tpu.memory_space<hbm>> -> memref<1x96xi32, #tpu.memory_space<hbm>>
        tpu.enqueue_dma source(%dma_start3A_456 : memref<1x96xi32, #tpu.memory_space<hbm>>) target(%arg19 : memref<1x96xi32, #tpu.memory_space<vmem>>) target_semaphore(%run_scoped3A : memref<!tpu.dma_semaphore, #tpu.memory_space<semaphore_mem>>)
        %dma_wait3A_457 = arith.constant 0 : i32
        %dma_wait3A_458 = tpu.memref_slice %arg3[%add3A_187, %dma_wait3A_457] : memref<3392x96xi32, #tpu.memory_space<hbm>> -> memref<1x96xi32, #tpu.memory_space<hbm>>
        %dma_wait3A_459 = arith.constant 0 : i32
        %dma_wait3A_460 = tpu.memref_slice %arg3[%add3A_187, %dma_wait3A_459] : memref<3392x96xi32, #tpu.memory_space<hbm>> -> memref<1x96xi32, #tpu.memory_space<hbm>>
        tpu.wait_dma2 semaphore(%run_scoped3A : memref<!tpu.dma_semaphore, #tpu.memory_space<semaphore_mem>>) src(%dma_wait3A_460 : memref<1x96xi32, #tpu.memory_space<hbm>>) dst(%arg19 : memref<1x96xi32, #tpu.memory_space<vmem>>)
        tpu.yield
      }) : () -> ()
      "tpu.region"() ({
        %run_scoped3A = tpu.sem_alloc : memref<!tpu.dma_semaphore, #tpu.memory_space<semaphore_mem>>
        %dma_start3A_453 = arith.constant 0 : i32
        %dma_start3A_454 = tpu.memref_slice %arg4[%add3A_187, %dma_start3A_453] : memref<3392x96xi32, #tpu.memory_space<hbm>> -> memref<1x96xi32, #tpu.memory_space<hbm>>
        %dma_start3A_455 = arith.constant 0 : i32
        %dma_start3A_456 = tpu.memref_slice %arg4[%add3A_187, %dma_start3A_455] : memref<3392x96xi32, #tpu.memory_space<hbm>> -> memref<1x96xi32, #tpu.memory_space<hbm>>
        tpu.enqueue_dma source(%dma_start3A_456 : memref<1x96xi32, #tpu.memory_space<hbm>>) target(%arg20 : memref<1x96xi32, #tpu.memory_space<vmem>>) target_semaphore(%run_scoped3A : memref<!tpu.dma_semaphore, #tpu.memory_space<semaphore_mem>>)
        %dma_wait3A_457 = arith.constant 0 : i32
        %dma_wait3A_458 = tpu.memref_slice %arg4[%add3A_187, %dma_wait3A_457] : memref<3392x96xi32, #tpu.memory_space<hbm>> -> memref<1x96xi32, #tpu.memory_space<hbm>>
        %dma_wait3A_459 = arith.constant 0 : i32
        %dma_wait3A_460 = tpu.memref_slice %arg4[%add3A_187, %dma_wait3A_459] : memref<3392x96xi32, #tpu.memory_space<hbm>> -> memref<1x96xi32, #tpu.memory_space<hbm>>
        tpu.wait_dma2 semaphore(%run_scoped3A : memref<!tpu.dma_semaphore, #tpu.memory_space<semaphore_mem>>) src(%dma_wait3A_460 : memref<1x96xi32, #tpu.memory_space<hbm>>) dst(%arg20 : memref<1x96xi32, #tpu.memory_space<vmem>>)
        tpu.yield
      }) : () -> ()
      %get3A_188 = arith.constant 0 : i32
      %get3A_189 = arith.index_cast %get3A_188 : i32 to index
      %get3A_190 = arith.constant 0 : index
      %get3A_191 = tpu.vector_load %arg19[%get3A_189, %get3A_190] {strides = array<i32>} : memref<1x96xi32, #tpu.memory_space<vmem>>, vector<1x16xi32>,
      %get3A_192 = vector.shape_cast %get3A_191 : vector<1x16xi32> to vector<16xi32>
      %add3A_193 = arith.addi %get3A_192, %get3A_192 : vector<16xi32>
      %swap3A_194 = arith.constant 0 : i32
      %swap3A_195 = arith.index_cast %swap3A_194 : i32 to index
      %swap3A_196 = arith.constant 0 : index
      %swap3A_197 = tpu.vector_load %arg21[%swap3A_195, %swap3A_196] {strides = array<i32>} : memref<1x96xi32, #tpu.memory_space<vmem>>, vector<1x16xi32>,
      %swap3A_198 = vector.shape_cast %swap3A_197 : vector<1x16xi32> to vector<16xi32>
      %swap3A_199 = vector.shape_cast %add3A_193 : vector<16xi32> to vector<1x16xi32>
      tpu.vector_store %arg21[%swap3A_195, %swap3A_196], %swap3A_199 {strides = array<i32>} : memref<1x96xi32, #tpu.memory_space<vmem>>, vector<1x16xi32>,
      %add3A_200 = arith.constant 1 : i32
      %add3A_201 = vector.broadcast %add3A_200 : i32 to vector<16xi32>
      %add3A_202 = arith.addi %add3A_193, %add3A_201 : vector<16xi32>
      %swap3A_203 = arith.constant 0 : i32
      %swap3A_204 = arith.index_cast %swap3A_203 : i32 to index
      %swap3A_205 = arith.constant 0 : index
      %swap3A_206 = tpu.vector_load %arg22[%swap3A_204, %swap3A_205] {strides = array<i32>} : memref<1x96xi32, #tpu.memory_space<vmem>>, vector<1x16xi32>,
      %swap3A_207 = vector.shape_cast %swap3A_206 : vector<1x16xi32> to vector<16xi32>
      %swap3A_208 = vector.shape_cast %add3A_202 : vector<16xi32> to vector<1x16xi32>
      tpu.vector_store %arg22[%swap3A_204, %swap3A_205], %swap3A_208 {strides = array<i32>} : memref<1x96xi32, #tpu.memory_space<vmem>>, vector<1x16xi32>,
      %get3A_209 = arith.constant 0 : i32
      %get3A_210 = arith.index_cast %get3A_209 : i32 to index
      %get3A_211 = arith.constant 16 : index
      %get3A_212 = tpu.vector_load %arg19[%get3A_210, %get3A_211] {strides = array<i32>} : memref<1x96xi32, #tpu.memory_space<vmem>>, vector<1x16xi32>,
      %get3A_213 = vector.shape_cast %get3A_212 : vector<1x16xi32> to vector<16xi32>
      %add3A_214 = arith.addi %get3A_213, %get3A_213 : vector<16xi32>
      %swap3A_215 = arith.constant 0 : i32
      %swap3A_216 = arith.index_cast %swap3A_215 : i32 to index
      %swap3A_217 = arith.constant 16 : index
      %swap3A_218 = tpu.vector_load %arg21[%swap3A_216, %swap3A_217] {strides = array<i32>} : memref<1x96xi32, #tpu.memory_space<vmem>>, vector<1x16xi32>,
      %swap3A_219 = vector.shape_cast %swap3A_218 : vector<1x16xi32> to vector<16xi32>
      %swap3A_220 = vector.shape_cast %add3A_214 : vector<16xi32> to vector<1x16xi32>
      tpu.vector_store %arg21[%swap3A_216, %swap3A_217], %swap3A_220 {strides = array<i32>} : memref<1x96xi32, #tpu.memory_space<vmem>>, vector<1x16xi32>,
      %add3A_221 = arith.constant 1 : i32
      %add3A_222 = vector.broadcast %add3A_221 : i32 to vector<16xi32>
      %add3A_223 = arith.addi %add3A_214, %add3A_222 : vector<16xi32>
      %swap3A_224 = arith.constant 0 : i32
      %swap3A_225 = arith.index_cast %swap3A_224 : i32 to index
      %swap3A_226 = arith.constant 16 : index
      %swap3A_227 = tpu.vector_load %arg22[%swap3A_225, %swap3A_226] {strides = array<i32>} : memref<1x96xi32, #tpu.memory_space<vmem>>, vector<1x16xi32>,
      %swap3A_228 = vector.shape_cast %swap3A_227 : vector<1x16xi32> to vector<16xi32>
      %swap3A_229 = vector.shape_cast %add3A_223 : vector<16xi32> to vector<1x16xi32>
      tpu.vector_store %arg22[%swap3A_225, %swap3A_226], %swap3A_229 {strides = array<i32>} : memref<1x96xi32, #tpu.memory_space<vmem>>, vector<1x16xi32>,
      %get3A_230 = arith.constant 0 : i32
      %get3A_231 = arith.index_cast %get3A_230 : i32 to index
      %get3A_232 = arith.constant 32 : index
      %get3A_233 = tpu.vector_load %arg19[%get3A_231, %get3A_232] {strides = array<i32>} : memref<1x96xi32, #tpu.memory_space<vmem>>, vector<1x16xi32>,
      %get3A_234 = vector.shape_cast %get3A_233 : vector<1x16xi32> to vector<16xi32>
      %add3A_235 = arith.addi %get3A_234, %get3A_234 : vector<16xi32>
      %swap3A_236 = arith.constant 0 : i32
      %swap3A_237 = arith.index_cast %swap3A_236 : i32 to index
      %swap3A_238 = arith.constant 32 : index
      %swap3A_239 = tpu.vector_load %arg21[%swap3A_237, %swap3A_238] {strides = array<i32>} : memref<1x96xi32, #tpu.memory_space<vmem>>, vector<1x16xi32>,
      %swap3A_240 = vector.shape_cast %swap3A_239 : vector<1x16xi32> to vector<16xi32>
      %swap3A_241 = vector.shape_cast %add3A_235 : vector<16xi32> to vector<1x16xi32>
      tpu.vector_store %arg21[%swap3A_237, %swap3A_238], %swap3A_241 {strides = array<i32>} : memref<1x96xi32, #tpu.memory_space<vmem>>, vector<1x16xi32>,
      %add3A_242 = arith.constant 1 : i32
      %add3A_243 = vector.broadcast %add3A_242 : i32 to vector<16xi32>
      %add3A_244 = arith.addi %add3A_235, %add3A_243 : vector<16xi32>
      %swap3A_245 = arith.constant 0 : i32
      %swap3A_246 = arith.index_cast %swap3A_245 : i32 to index
      %swap3A_247 = arith.constant 32 : index
      %swap3A_248 = tpu.vector_load %arg22[%swap3A_246, %swap3A_247] {strides = array<i32>} : memref<1x96xi32, #tpu.memory_space<vmem>>, vector<1x16xi32>,
      %swap3A_249 = vector.shape_cast %swap3A_248 : vector<1x16xi32> to vector<16xi32>
      %swap3A_250 = vector.shape_cast %add3A_244 : vector<16xi32> to vector<1x16xi32>
      tpu.vector_store %arg22[%swap3A_246, %swap3A_247], %swap3A_250 {strides = array<i32>} : memref<1x96xi32, #tpu.memory_space<vmem>>, vector<1x16xi32>,
      %get3A_251 = arith.constant 0 : i32
      %get3A_252 = arith.index_cast %get3A_251 : i32 to index
      %get3A_253 = arith.constant 48 : index
      %get3A_254 = tpu.vector_load %arg19[%get3A_252, %get3A_253] {strides = array<i32>} : memref<1x96xi32, #tpu.memory_space<vmem>>, vector<1x16xi32>,
      %get3A_255 = vector.shape_cast %get3A_254 : vector<1x16xi32> to vector<16xi32>
      %add3A_256 = arith.addi %get3A_255, %get3A_255 : vector<16xi32>
      %swap3A_257 = arith.constant 0 : i32
      %swap3A_258 = arith.index_cast %swap3A_257 : i32 to index
      %swap3A_259 = arith.constant 48 : index
      %swap3A_260 = tpu.vector_load %arg21[%swap3A_258, %swap3A_259] {strides = array<i32>} : memref<1x96xi32, #tpu.memory_space<vmem>>, vector<1x16xi32>,
      %swap3A_261 = vector.shape_cast %swap3A_260 : vector<1x16xi32> to vector<16xi32>
      %swap3A_262 = vector.shape_cast %add3A_256 : vector<16xi32> to vector<1x16xi32>
      tpu.vector_store %arg21[%swap3A_258, %swap3A_259], %swap3A_262 {strides = array<i32>} : memref<1x96xi32, #tpu.memory_space<vmem>>, vector<1x16xi32>,
      %add3A_263 = arith.constant 1 : i32
      %add3A_264 = vector.broadcast %add3A_263 : i32 to vector<16xi32>
      %add3A_265 = arith.addi %add3A_256, %add3A_264 : vector<16xi32>
      %swap3A_266 = arith.constant 0 : i32
      %swap3A_267 = arith.index_cast %swap3A_266 : i32 to index
      %swap3A_268 = arith.constant 48 : index
      %swap3A_269 = tpu.vector_load %arg22[%swap3A_267, %swap3A_268] {strides = array<i32>} : memref<1x96xi32, #tpu.memory_space<vmem>>, vector<1x16xi32>,
      %swap3A_270 = vector.shape_cast %swap3A_269 : vector<1x16xi32> to vector<16xi32>
      %swap3A_271 = vector.shape_cast %add3A_265 : vector<16xi32> to vector<1x16xi32>
      tpu.vector_store %arg22[%swap3A_267, %swap3A_268], %swap3A_271 {strides = array<i32>} : memref<1x96xi32, #tpu.memory_space<vmem>>, vector<1x16xi32>,
      %get3A_272 = arith.constant 0 : i32
      %get3A_273 = arith.index_cast %get3A_272 : i32 to index
      %get3A_274 = arith.constant 64 : index
      %get3A_275 = tpu.vector_load %arg19[%get3A_273, %get3A_274] {strides = array<i32>} : memref<1x96xi32, #tpu.memory_space<vmem>>, vector<1x16xi32>,
      %get3A_276 = vector.shape_cast %get3A_275 : vector<1x16xi32> to vector<16xi32>
      %add3A_277 = arith.addi %get3A_276, %get3A_276 : vector<16xi32>
      %swap3A_278 = arith.constant 0 : i32
      %swap3A_279 = arith.index_cast %swap3A_278 : i32 to index
      %swap3A_280 = arith.constant 64 : index
      %swap3A_281 = tpu.vector_load %arg21[%swap3A_279, %swap3A_280] {strides = array<i32>} : memref<1x96xi32, #tpu.memory_space<vmem>>, vector<1x16xi32>,
      %swap3A_282 = vector.shape_cast %swap3A_281 : vector<1x16xi32> to vector<16xi32>
      %swap3A_283 = vector.shape_cast %add3A_277 : vector<16xi32> to vector<1x16xi32>
      tpu.vector_store %arg21[%swap3A_279, %swap3A_280], %swap3A_283 {strides = array<i32>} : memref<1x96xi32, #tpu.memory_space<vmem>>, vector<1x16xi32>,
      %add3A_284 = arith.constant 1 : i32
      %add3A_285 = vector.broadcast %add3A_284 : i32 to vector<16xi32>
      %add3A_286 = arith.addi %add3A_277, %add3A_285 : vector<16xi32>
      %swap3A_287 = arith.constant 0 : i32
      %swap3A_288 = arith.index_cast %swap3A_287 : i32 to index
      %swap3A_289 = arith.constant 64 : index
      %swap3A_290 = tpu.vector_load %arg22[%swap3A_288, %swap3A_289] {strides = array<i32>} : memref<1x96xi32, #tpu.memory_space<vmem>>, vector<1x16xi32>,
      %swap3A_291 = vector.shape_cast %swap3A_290 : vector<1x16xi32> to vector<16xi32>
      %swap3A_292 = vector.shape_cast %add3A_286 : vector<16xi32> to vector<1x16xi32>
      tpu.vector_store %arg22[%swap3A_288, %swap3A_289], %swap3A_292 {strides = array<i32>} : memref<1x96xi32, #tpu.memory_space<vmem>>, vector<1x16xi32>,
      %get3A_293 = arith.constant 0 : i32
      %get3A_294 = arith.index_cast %get3A_293 : i32 to index
      %get3A_295 = arith.constant 80 : index
      %get3A_296 = tpu.vector_load %arg19[%get3A_294, %get3A_295] {strides = array<i32>} : memref<1x96xi32, #tpu.memory_space<vmem>>, vector<1x16xi32>,
      %get3A_297 = vector.shape_cast %get3A_296 : vector<1x16xi32> to vector<16xi32>
      %add3A_298 = arith.addi %get3A_297, %get3A_297 : vector<16xi32>
      %swap3A_299 = arith.constant 0 : i32
      %swap3A_300 = arith.index_cast %swap3A_299 : i32 to index
      %swap3A_301 = arith.constant 80 : index
      %swap3A_302 = tpu.vector_load %arg21[%swap3A_300, %swap3A_301] {strides = array<i32>} : memref<1x96xi32, #tpu.memory_space<vmem>>, vector<1x16xi32>,
      %swap3A_303 = vector.shape_cast %swap3A_302 : vector<1x16xi32> to vector<16xi32>
      %swap3A_304 = vector.shape_cast %add3A_298 : vector<16xi32> to vector<1x16xi32>
      tpu.vector_store %arg21[%swap3A_300, %swap3A_301], %swap3A_304 {strides = array<i32>} : memref<1x96xi32, #tpu.memory_space<vmem>>, vector<1x16xi32>,
      %add3A_305 = arith.constant 1 : i32
      %add3A_306 = vector.broadcast %add3A_305 : i32 to vector<16xi32>
      %add3A_307 = arith.addi %add3A_298, %add3A_306 : vector<16xi32>
      %swap3A_308 = arith.constant 0 : i32
      %swap3A_309 = arith.index_cast %swap3A_308 : i32 to index
      %swap3A_310 = arith.constant 80 : index
      %swap3A_311 = tpu.vector_load %arg22[%swap3A_309, %swap3A_310] {strides = array<i32>} : memref<1x96xi32, #tpu.memory_space<vmem>>, vector<1x16xi32>,
      %swap3A_312 = vector.shape_cast %swap3A_311 : vector<1x16xi32> to vector<16xi32>
      %swap3A_313 = vector.shape_cast %add3A_307 : vector<16xi32> to vector<1x16xi32>
      tpu.vector_store %arg22[%swap3A_309, %swap3A_310], %swap3A_313 {strides = array<i32>} : memref<1x96xi32, #tpu.memory_space<vmem>>, vector<1x16xi32>,
      %dma_start3A_314 = arith.constant 0 : i32
      %dma_start3A_315 = arith.constant 0 : i32
      %dma_start3A_316 = tpu.memref_slice %arg21[%dma_start3A_314, %dma_start3A_315] : memref<1x96xi32, #tpu.memory_space<vmem>> -> memref<1x96xi32, #tpu.memory_space<vmem>>
      %dma_start3A_317 = tpu.memref_squeeze %dma_start3A_316 : memref<1x96xi32, #tpu.memory_space<vmem>> -> memref<96xi32, #tpu.memory_space<vmem>>
      %dma_start3A_318 = arith.constant 0 : i32
      %dma_start3A_319 = arith.constant 0 : i32
      %dma_start3A_320 = tpu.memref_slice %arg2[%dma_start3A_318, %dma_start3A_319] : memref<20000x64xf32, #tpu.memory_space<hbm>> -> memref<20000x64xf32, #tpu.memory_space<hbm>>
      tpu.enqueue_indirect_dma source(%dma_start3A_320 : memref<20000x64xf32, #tpu.memory_space<hbm>>) target(%arg23 : memref<96x64xf32, #tpu.memory_space<vmem>>) offsets(%dma_start3A_317 : memref<96xi32, #tpu.memory_space<vmem>>) semaphore(%arg26 : memref<!tpu.dma_semaphore, #tpu.memory_space<semaphore_mem>>)
      %dma_start3A_321 = arith.constant 0 : i32
      %dma_start3A_322 = arith.constant 0 : i32
      %dma_start3A_323 = tpu.memref_slice %arg22[%dma_start3A_321, %dma_start3A_322] : memref<1x96xi32, #tpu.memory_space<vmem>> -> memref<1x96xi32, #tpu.memory_space<vmem>>
      %dma_start3A_324 = tpu.memref_squeeze %dma_start3A_323 : memref<1x96xi32, #tpu.memory_space<vmem>> -> memref<96xi32, #tpu.memory_space<vmem>>
      %dma_start3A_325 = arith.constant 0 : i32
      %dma_start3A_326 = arith.constant 0 : i32
      %dma_start3A_327 = tpu.memref_slice %arg2[%dma_start3A_325, %dma_start3A_326] : memref<20000x64xf32, #tpu.memory_space<hbm>> -> memref<20000x64xf32, #tpu.memory_space<hbm>>
      tpu.enqueue_indirect_dma source(%dma_start3A_327 : memref<20000x64xf32, #tpu.memory_space<hbm>>) target(%arg24 : memref<96x64xf32, #tpu.memory_space<vmem>>) offsets(%dma_start3A_324 : memref<96xi32, #tpu.memory_space<vmem>>) semaphore(%arg26 : memref<!tpu.dma_semaphore, #tpu.memory_space<semaphore_mem>>)
      %mul3A_328 = arith.constant 96 : i32
      %mul3A_329 = arith.muli %add3A_187, %mul3A_328 : i32
      %dma_start3A_330 = arith.constant 0 : i32
      %dma_start3A_331 = tpu.memref_slice %arg5[%mul3A_329, %dma_start3A_330] : memref<325632x16xf32, #tpu.memory_space<hbm>> -> memref<96x16xf32, #tpu.memory_space<hbm>>
      %dma_start3A_332 = arith.constant 0 : i32
      %dma_start3A_333 = tpu.memref_slice %arg5[%mul3A_329, %dma_start3A_332] : memref<325632x16xf32, #tpu.memory_space<hbm>> -> memref<96x16xf32, #tpu.memory_space<hbm>>
      tpu.enqueue_dma source(%dma_start3A_333 : memref<96x16xf32, #tpu.memory_space<hbm>>) target(%arg25 : memref<96x16xf32, #tpu.memory_space<vmem>>) target_semaphore(%arg27 : memref<!tpu.dma_semaphore, #tpu.memory_space<semaphore_mem>>)
      %dma_wait3A = arith.constant 0 : i32
      %dma_wait3A_334 = arith.constant 0 : i32
      %dma_wait3A_335 = tpu.memref_slice %arg11[%dma_wait3A, %dma_wait3A_334] : memref<1x96xi32, #tpu.memory_space<vmem>> -> memref<1x96xi32, #tpu.memory_space<vmem>>
      %dma_wait3A_336 = tpu.memref_squeeze %dma_wait3A_335 : memref<1x96xi32, #tpu.memory_space<vmem>> -> memref<96xi32, #tpu.memory_space<vmem>>
      %dma_wait3A_337 = arith.constant 0 : i32
      %dma_wait3A_338 = arith.constant 0 : i32
      %dma_wait3A_339 = tpu.memref_slice %arg2[%dma_wait3A_337, %dma_wait3A_338] : memref<20000x64xf32, #tpu.memory_space<hbm>> -> memref<20000x64xf32, #tpu.memory_space<hbm>>
      tpu.wait_indirect_dma semaphore(%arg16 : memref<!tpu.dma_semaphore, #tpu.memory_space<semaphore_mem>>) src(%dma_wait3A_339 : memref<20000x64xf32, #tpu.memory_space<hbm>>) dst(%arg13 : memref<96x64xf32, #tpu.memory_space<vmem>>)
      %dma_start3A_340 = arith.constant 0 : i32
      %dma_start3A_341 = arith.constant 0 : i32
      %dma_start3A_342 = tpu.memref_slice %arg10[%dma_start3A_340, %dma_start3A_341] : memref<1x96xi32, #tpu.memory_space<vmem>> -> memref<1x96xi32, #tpu.memory_space<vmem>>
      %dma_start3A_343 = tpu.memref_squeeze %dma_start3A_342 : memref<1x96xi32, #tpu.memory_space<vmem>> -> memref<96xi32, #tpu.memory_space<vmem>>
      %dma_start3A_344 = arith.constant 0 : i32
      %dma_start3A_345 = arith.constant 0 : i32
      %dma_start3A_346 = tpu.memref_slice %arg29[%dma_start3A_344, %dma_start3A_345] : memref<10240x64xf32, #tpu.memory_space<vmem_shared>> -> memref<10240x64xf32, #tpu.memory_space<vmem_shared>>
      tpu.enqueue_indirect_dma source(%arg13 : memref<96x64xf32, #tpu.memory_space<vmem>>) target(%dma_start3A_346 : memref<10240x64xf32, #tpu.memory_space<vmem_shared>>) offsets(%dma_start3A_343 : memref<96xi32, #tpu.memory_space<vmem>>) semaphore(%arg18 : memref<!tpu.dma_semaphore, #tpu.memory_space<semaphore_mem>>) {add = true}
      %dma_wait3A_347 = arith.constant 0 : i32
      %dma_wait3A_348 = arith.constant 0 : i32
      %dma_wait3A_349 = tpu.memref_slice %arg12[%dma_wait3A_347, %dma_wait3A_348] : memref<1x96xi32, #tpu.memory_space<vmem>> -> memref<1x96xi32, #tpu.memory_space<vmem>>
      %dma_wait3A_350 = tpu.memref_squeeze %dma_wait3A_349 : memref<1x96xi32, #tpu.memory_space<vmem>> -> memref<96xi32, #tpu.memory_space<vmem>>
      %dma_wait3A_351 = arith.constant 0 : i32
      %dma_wait3A_352 = arith.constant 0 : i32
      %dma_wait3A_353 = tpu.memref_slice %arg2[%dma_wait3A_351, %dma_wait3A_352] : memref<20000x64xf32, #tpu.memory_space<hbm>> -> memref<20000x64xf32, #tpu.memory_space<hbm>>
      tpu.wait_indirect_dma semaphore(%arg16 : memref<!tpu.dma_semaphore, #tpu.memory_space<semaphore_mem>>) src(%dma_wait3A_353 : memref<20000x64xf32, #tpu.memory_space<hbm>>) dst(%arg14 : memref<96x64xf32, #tpu.memory_space<vmem>>)
      %dma_start3A_354 = arith.constant 0 : i32
      %dma_start3A_355 = arith.constant 0 : i32
      %dma_start3A_356 = tpu.memref_slice %arg10[%dma_start3A_354, %dma_start3A_355] : memref<1x96xi32, #tpu.memory_space<vmem>> -> memref<1x96xi32, #tpu.memory_space<vmem>>
      %dma_start3A_357 = tpu.memref_squeeze %dma_start3A_356 : memref<1x96xi32, #tpu.memory_space<vmem>> -> memref<96xi32, #tpu.memory_space<vmem>>
      %dma_start3A_358 = arith.constant 0 : i32
      %dma_start3A_359 = arith.constant 0 : i32
      %dma_start3A_360 = tpu.memref_slice %arg30[%dma_start3A_358, %dma_start3A_359] : memref<10240x64xf32, #tpu.memory_space<vmem_shared>> -> memref<10240x64xf32, #tpu.memory_space<vmem_shared>>
      tpu.enqueue_indirect_dma source(%arg14 : memref<96x64xf32, #tpu.memory_space<vmem>>) target(%dma_start3A_360 : memref<10240x64xf32, #tpu.memory_space<vmem_shared>>) offsets(%dma_start3A_357 : memref<96xi32, #tpu.memory_space<vmem>>) semaphore(%arg18 : memref<!tpu.dma_semaphore, #tpu.memory_space<semaphore_mem>>) {add = true}
      %dma_wait3A_361 = arith.constant 0 : i32
      %dma_wait3A_362 = tpu.memref_slice %arg5[%mul3A_181, %dma_wait3A_361] : memref<325632x16xf32, #tpu.memory_space<hbm>> -> memref<96x16xf32, #tpu.memory_space<hbm>>
      %dma_wait3A_363 = arith.constant 0 : i32
      %dma_wait3A_364 = tpu.memref_slice %arg5[%mul3A_181, %dma_wait3A_363] : memref<325632x16xf32, #tpu.memory_space<hbm>> -> memref<96x16xf32, #tpu.memory_space<hbm>>
      tpu.wait_dma2 semaphore(%arg17 : memref<!tpu.dma_semaphore, #tpu.memory_space<semaphore_mem>>) src(%dma_wait3A_364 : memref<96x16xf32, #tpu.memory_space<hbm>>) dst(%arg15 : memref<96x16xf32, #tpu.memory_space<vmem>>)
      %dma_start3A_365 = arith.constant 0 : i32
      %dma_start3A_366 = arith.constant 0 : i32
      %dma_start3A_367 = tpu.memref_slice %arg10[%dma_start3A_365, %dma_start3A_366] : memref<1x96xi32, #tpu.memory_space<vmem>> -> memref<1x96xi32, #tpu.memory_space<vmem>>
      %dma_start3A_368 = tpu.memref_squeeze %dma_start3A_367 : memref<1x96xi32, #tpu.memory_space<vmem>> -> memref<96xi32, #tpu.memory_space<vmem>>
      %dma_start3A_369 = arith.constant 0 : i32
      %dma_start3A_370 = arith.constant 0 : i32
      %dma_start3A_371 = tpu.memref_slice %arg31[%dma_start3A_369, %dma_start3A_370] : memref<10240x16xf32, #tpu.memory_space<vmem_shared>> -> memref<10240x16xf32, #tpu.memory_space<vmem_shared>>
      tpu.enqueue_indirect_dma source(%arg15 : memref<96x16xf32, #tpu.memory_space<vmem>>) target(%dma_start3A_371 : memref<10240x16xf32, #tpu.memory_space<vmem_shared>>) offsets(%dma_start3A_368 : memref<96xi32, #tpu.memory_space<vmem>>) semaphore(%arg18 : memref<!tpu.dma_semaphore, #tpu.memory_space<semaphore_mem>>) {add = true}
      %dma_wait3A_372 = arith.constant 0 : i32
      %dma_wait3A_373 = arith.constant 0 : i32
      %dma_wait3A_374 = tpu.memref_slice %arg21[%dma_wait3A_372, %dma_wait3A_373] : memref<1x96xi32, #tpu.memory_space<vmem>> -> memref<1x96xi32, #tpu.memory_space<vmem>>
      %dma_wait3A_375 = tpu.memref_squeeze %dma_wait3A_374 : memref<1x96xi32, #tpu.memory_space<vmem>> -> memref<96xi32, #tpu.memory_space<vmem>>
      %dma_wait3A_376 = arith.constant 0 : i32
      %dma_wait3A_377 = arith.constant 0 : i32
      %dma_wait3A_378 = tpu.memref_slice %arg2[%dma_wait3A_376, %dma_wait3A_377] : memref<20000x64xf32, #tpu.memory_space<hbm>> -> memref<20000x64xf32, #tpu.memory_space<hbm>>
      tpu.wait_indirect_dma semaphore(%arg26 : memref<!tpu.dma_semaphore, #tpu.memory_space<semaphore_mem>>) src(%dma_wait3A_378 : memref<20000x64xf32, #tpu.memory_space<hbm>>) dst(%arg23 : memref<96x64xf32, #tpu.memory_space<vmem>>)
      %dma_start3A_379 = arith.constant 0 : i32
      %dma_start3A_380 = arith.constant 0 : i32
      %dma_start3A_381 = tpu.memref_slice %arg20[%dma_start3A_379, %dma_start3A_380] : memref<1x96xi32, #tpu.memory_space<vmem>> -> memref<1x96xi32, #tpu.memory_space<vmem>>
      %dma_start3A_382 = tpu.memref_squeeze %dma_start3A_381 : memref<1x96xi32, #tpu.memory_space<vmem>> -> memref<96xi32, #tpu.memory_space<vmem>>
      %dma_start3A_383 = arith.constant 0 : i32
      %dma_start3A_384 = arith.constant 0 : i32
      %dma_start3A_385 = tpu.memref_slice %arg29[%dma_start3A_383, %dma_start3A_384] : memref<10240x64xf32, #tpu.memory_space<vmem_shared>> -> memref<10240x64xf32, #tpu.memory_space<vmem_shared>>
      tpu.enqueue_indirect_dma source(%arg23 : memref<96x64xf32, #tpu.memory_space<vmem>>) target(%dma_start3A_385 : memref<10240x64xf32, #tpu.memory_space<vmem_shared>>) offsets(%dma_start3A_382 : memref<96xi32, #tpu.memory_space<vmem>>) semaphore(%arg28 : memref<!tpu.dma_semaphore, #tpu.memory_space<semaphore_mem>>) {add = true}
      %dma_wait3A_386 = arith.constant 0 : i32
      %dma_wait3A_387 = arith.constant 0 : i32
      %dma_wait3A_388 = tpu.memref_slice %arg22[%dma_wait3A_386, %dma_wait3A_387] : memref<1x96xi32, #tpu.memory_space<vmem>> -> memref<1x96xi32, #tpu.memory_space<vmem>>
      %dma_wait3A_389 = tpu.memref_squeeze %dma_wait3A_388 : memref<1x96xi32, #tpu.memory_space<vmem>> -> memref<96xi32, #tpu.memory_space<vmem>>
      %dma_wait3A_390 = arith.constant 0 : i32
      %dma_wait3A_391 = arith.constant 0 : i32
      %dma_wait3A_392 = tpu.memref_slice %arg2[%dma_wait3A_390, %dma_wait3A_391] : memref<20000x64xf32, #tpu.memory_space<hbm>> -> memref<20000x64xf32, #tpu.memory_space<hbm>>
      tpu.wait_indirect_dma semaphore(%arg26 : memref<!tpu.dma_semaphore, #tpu.memory_space<semaphore_mem>>) src(%dma_wait3A_392 : memref<20000x64xf32, #tpu.memory_space<hbm>>) dst(%arg24 : memref<96x64xf32, #tpu.memory_space<vmem>>)
      %dma_start3A_393 = arith.constant 0 : i32
      %dma_start3A_394 = arith.constant 0 : i32
      %dma_start3A_395 = tpu.memref_slice %arg20[%dma_start3A_393, %dma_start3A_394] : memref<1x96xi32, #tpu.memory_space<vmem>> -> memref<1x96xi32, #tpu.memory_space<vmem>>
      %dma_start3A_396 = tpu.memref_squeeze %dma_start3A_395 : memref<1x96xi32, #tpu.memory_space<vmem>> -> memref<96xi32, #tpu.memory_space<vmem>>
      %dma_start3A_397 = arith.constant 0 : i32
      %dma_start3A_398 = arith.constant 0 : i32
      %dma_start3A_399 = tpu.memref_slice %arg30[%dma_start3A_397, %dma_start3A_398] : memref<10240x64xf32, #tpu.memory_space<vmem_shared>> -> memref<10240x64xf32, #tpu.memory_space<vmem_shared>>
      tpu.enqueue_indirect_dma source(%arg24 : memref<96x64xf32, #tpu.memory_space<vmem>>) target(%dma_start3A_399 : memref<10240x64xf32, #tpu.memory_space<vmem_shared>>) offsets(%dma_start3A_396 : memref<96xi32, #tpu.memory_space<vmem>>) semaphore(%arg28 : memref<!tpu.dma_semaphore, #tpu.memory_space<semaphore_mem>>) {add = true}
      %dma_wait3A_400 = arith.constant 0 : i32
      %dma_wait3A_401 = tpu.memref_slice %arg5[%mul3A_329, %dma_wait3A_400] : memref<325632x16xf32, #tpu.memory_space<hbm>> -> memref<96x16xf32, #tpu.memory_space<hbm>>
      %dma_wait3A_402 = arith.constant 0 : i32
      %dma_wait3A_403 = tpu.memref_slice %arg5[%mul3A_329, %dma_wait3A_402] : memref<325632x16xf32, #tpu.memory_space<hbm>> -> memref<96x16xf32, #tpu.memory_space<hbm>>
      tpu.wait_dma2 semaphore(%arg27 : memref<!tpu.dma_semaphore, #tpu.memory_space<semaphore_mem>>) src(%dma_wait3A_403 : memref<96x16xf32, #tpu.memory_space<hbm>>) dst(%arg25 : memref<96x16xf32, #tpu.memory_space<vmem>>)
      %dma_start3A_404 = arith.constant 0 : i32
      %dma_start3A_405 = arith.constant 0 : i32
      %dma_start3A_406 = tpu.memref_slice %arg20[%dma_start3A_404, %dma_start3A_405] : memref<1x96xi32, #tpu.memory_space<vmem>> -> memref<1x96xi32, #tpu.memory_space<vmem>>
      %dma_start3A_407 = tpu.memref_squeeze %dma_start3A_406 : memref<1x96xi32, #tpu.memory_space<vmem>> -> memref<96xi32, #tpu.memory_space<vmem>>
      %dma_start3A_408 = arith.constant 0 : i32
      %dma_start3A_409 = arith.constant 0 : i32
      %dma_start3A_410 = tpu.memref_slice %arg31[%dma_start3A_408, %dma_start3A_409] : memref<10240x16xf32, #tpu.memory_space<vmem_shared>> -> memref<10240x16xf32, #tpu.memory_space<vmem_shared>>
      tpu.enqueue_indirect_dma source(%arg25 : memref<96x16xf32, #tpu.memory_space<vmem>>) target(%dma_start3A_410 : memref<10240x16xf32, #tpu.memory_space<vmem_shared>>) offsets(%dma_start3A_407 : memref<96xi32, #tpu.memory_space<vmem>>) semaphore(%arg28 : memref<!tpu.dma_semaphore, #tpu.memory_space<semaphore_mem>>) {add = true}
      %dma_wait3A_411 = arith.constant 0 : i32
      %dma_wait3A_412 = arith.constant 0 : i32
      %dma_wait3A_413 = tpu.memref_slice %arg10[%dma_wait3A_411, %dma_wait3A_412] : memref<1x96xi32, #tpu.memory_space<vmem>> -> memref<1x96xi32, #tpu.memory_space<vmem>>
      %dma_wait3A_414 = tpu.memref_squeeze %dma_wait3A_413 : memref<1x96xi32, #tpu.memory_space<vmem>> -> memref<96xi32, #tpu.memory_space<vmem>>
      %dma_wait3A_415 = arith.constant 0 : i32
      %dma_wait3A_416 = arith.constant 0 : i32
      %dma_wait3A_417 = tpu.memref_slice %arg29[%dma_wait3A_415, %dma_wait3A_416] : memref<10240x64xf32, #tpu.memory_space<vmem_shared>> -> memref<10240x64xf32, #tpu.memory_space<vmem_shared>>
      tpu.wait_indirect_dma semaphore(%arg18 : memref<!tpu.dma_semaphore, #tpu.memory_space<semaphore_mem>>) src(%arg13 : memref<96x64xf32, #tpu.memory_space<vmem>>) dst(%dma_wait3A_417 : memref<10240x64xf32, #tpu.memory_space<vmem_shared>>)
      %dma_wait3A_418 = arith.constant 0 : i32
      %dma_wait3A_419 = arith.constant 0 : i32
      %dma_wait3A_420 = tpu.memref_slice %arg10[%dma_wait3A_418, %dma_wait3A_419] : memref<1x96xi32, #tpu.memory_space<vmem>> -> memref<1x96xi32, #tpu.memory_space<vmem>>
      %dma_wait3A_421 = tpu.memref_squeeze %dma_wait3A_420 : memref<1x96xi32, #tpu.memory_space<vmem>> -> memref<96xi32, #tpu.memory_space<vmem>>
      %dma_wait3A_422 = arith.constant 0 : i32
      %dma_wait3A_423 = arith.constant 0 : i32
      %dma_wait3A_424 = tpu.memref_slice %arg30[%dma_wait3A_422, %dma_wait3A_423] : memref<10240x64xf32, #tpu.memory_space<vmem_shared>> -> memref<10240x64xf32, #tpu.memory_space<vmem_shared>>
      tpu.wait_indirect_dma semaphore(%arg18 : memref<!tpu.dma_semaphore, #tpu.memory_space<semaphore_mem>>) src(%arg14 : memref<96x64xf32, #tpu.memory_space<vmem>>) dst(%dma_wait3A_424 : memref<10240x64xf32, #tpu.memory_space<vmem_shared>>)
      %dma_wait3A_425 = arith.constant 0 : i32
      %dma_wait3A_426 = arith.constant 0 : i32
      %dma_wait3A_427 = tpu.memref_slice %arg10[%dma_wait3A_425, %dma_wait3A_426] : memref<1x96xi32, #tpu.memory_space<vmem>> -> memref<1x96xi32, #tpu.memory_space<vmem>>
      %dma_wait3A_428 = tpu.memref_squeeze %dma_wait3A_427 : memref<1x96xi32, #tpu.memory_space<vmem>> -> memref<96xi32, #tpu.memory_space<vmem>>
      %dma_wait3A_429 = arith.constant 0 : i32
      %dma_wait3A_430 = arith.constant 0 : i32
      %dma_wait3A_431 = tpu.memref_slice %arg31[%dma_wait3A_429, %dma_wait3A_430] : memref<10240x16xf32, #tpu.memory_space<vmem_shared>> -> memref<10240x16xf32, #tpu.memory_space<vmem_shared>>
      tpu.wait_indirect_dma semaphore(%arg18 : memref<!tpu.dma_semaphore, #tpu.memory_space<semaphore_mem>>) src(%arg15 : memref<96x16xf32, #tpu.memory_space<vmem>>) dst(%dma_wait3A_431 : memref<10240x16xf32, #tpu.memory_space<vmem_shared>>)
      %dma_wait3A_432 = arith.constant 0 : i32
      %dma_wait3A_433 = arith.constant 0 : i32
      %dma_wait3A_434 = tpu.memref_slice %arg20[%dma_wait3A_432, %dma_wait3A_433] : memref<1x96xi32, #tpu.memory_space<vmem>> -> memref<1x96xi32, #tpu.memory_space<vmem>>
      %dma_wait3A_435 = tpu.memref_squeeze %dma_wait3A_434 : memref<1x96xi32, #tpu.memory_space<vmem>> -> memref<96xi32, #tpu.memory_space<vmem>>
      %dma_wait3A_436 = arith.constant 0 : i32
      %dma_wait3A_437 = arith.constant 0 : i32
      %dma_wait3A_438 = tpu.memref_slice %arg29[%dma_wait3A_436, %dma_wait3A_437] : memref<10240x64xf32, #tpu.memory_space<vmem_shared>> -> memref<10240x64xf32, #tpu.memory_space<vmem_shared>>
      tpu.wait_indirect_dma semaphore(%arg28 : memref<!tpu.dma_semaphore, #tpu.memory_space<semaphore_mem>>) src(%arg23 : memref<96x64xf32, #tpu.memory_space<vmem>>) dst(%dma_wait3A_438 : memref<10240x64xf32, #tpu.memory_space<vmem_shared>>)
      %dma_wait3A_439 = arith.constant 0 : i32
      %dma_wait3A_440 = arith.constant 0 : i32
      %dma_wait3A_441 = tpu.memref_slice %arg20[%dma_wait3A_439, %dma_wait3A_440] : memref<1x96xi32, #tpu.memory_space<vmem>> -> memref<1x96xi32, #tpu.memory_space<vmem>>
      %dma_wait3A_442 = tpu.memref_squeeze %dma_wait3A_441 : memref<1x96xi32, #tpu.memory_space<vmem>> -> memref<96xi32, #tpu.memory_space<vmem>>
      %dma_wait3A_443 = arith.constant 0 : i32
      %dma_wait3A_444 = arith.constant 0 : i32
      %dma_wait3A_445 = tpu.memref_slice %arg30[%dma_wait3A_443, %dma_wait3A_444] : memref<10240x64xf32, #tpu.memory_space<vmem_shared>> -> memref<10240x64xf32, #tpu.memory_space<vmem_shared>>
      tpu.wait_indirect_dma semaphore(%arg28 : memref<!tpu.dma_semaphore, #tpu.memory_space<semaphore_mem>>) src(%arg24 : memref<96x64xf32, #tpu.memory_space<vmem>>) dst(%dma_wait3A_445 : memref<10240x64xf32, #tpu.memory_space<vmem_shared>>)
      %dma_wait3A_446 = arith.constant 0 : i32
      %dma_wait3A_447 = arith.constant 0 : i32
      %dma_wait3A_448 = tpu.memref_slice %arg20[%dma_wait3A_446, %dma_wait3A_447] : memref<1x96xi32, #tpu.memory_space<vmem>> -> memref<1x96xi32, #tpu.memory_space<vmem>>
      %dma_wait3A_449 = tpu.memref_squeeze %dma_wait3A_448 : memref<1x96xi32, #tpu.memory_space<vmem>> -> memref<96xi32, #tpu.memory_space<vmem>>
      %dma_wait3A_450 = arith.constant 0 : i32
      %dma_wait3A_451 = arith.constant 0 : i32
      %dma_wait3A_452 = tpu.memref_slice %arg31[%dma_wait3A_450, %dma_wait3A_451] : memref<10240x16xf32, #tpu.memory_space<vmem_shared>> -> memref<10240x16xf32, #tpu.memory_space<vmem_shared>>
      tpu.wait_indirect_dma semaphore(%arg28 : memref<!tpu.dma_semaphore, #tpu.memory_space<semaphore_mem>>) src(%arg25 : memref<96x16xf32, #tpu.memory_space<vmem>>) dst(%dma_wait3A_452 : memref<10240x16xf32, #tpu.memory_space<vmem_shared>>)
    }
    %scan3A_26 = arith.constant 53 : i32
    %barrier3A_27 = arith.constant 0 : index
    tpu.barrier barrier_id(%barrier3A_27)
    %mul3A_28 = arith.constant 640 : i32
    %mul3A_29 = arith.muli %arg1, %mul3A_28 : i32
    %mul3A_30 = arith.constant 10240 : i32
    %mul3A_31 = arith.muli %arg0, %mul3A_30 : i32
    %add3A_32 = arith.addi %mul3A_31, %mul3A_29 : i32
    "tpu.region"() ({
      %run_scoped3A = tpu.sem_alloc : memref<!tpu.dma_semaphore, #tpu.memory_space<semaphore_mem>>
      %dma_start3A = arith.constant 0 : i32
      %dma_start3A_33 = tpu.memref_slice %arg6[%add3A_32, %dma_start3A] : memref<20480x64xf32, #tpu.memory_space<hbm>> -> memref<640x64xf32, #tpu.memory_space<hbm>>
      %dma_start3A_34 = arith.constant 0 : i32
      %dma_start3A_35 = tpu.memref_slice %arg29[%mul3A_29, %dma_start3A_34] : memref<10240x64xf32, #tpu.memory_space<vmem_shared>> -> memref<640x64xf32, #tpu.memory_space<vmem_shared>>
      tpu.enqueue_dma source(%dma_start3A_35 : memref<640x64xf32, #tpu.memory_space<vmem_shared>>) target(%dma_start3A_33 : memref<640x64xf32, #tpu.memory_space<hbm>>) target_semaphore(%run_scoped3A : memref<!tpu.dma_semaphore, #tpu.memory_space<semaphore_mem>>)
      %dma_wait3A = arith.constant 0 : i32
      %dma_wait3A_36 = tpu.memref_slice %arg6[%add3A_32, %dma_wait3A] : memref<20480x64xf32, #tpu.memory_space<hbm>> -> memref<640x64xf32, #tpu.memory_space<hbm>>
      %dma_wait3A_37 = arith.constant 0 : i32
      %dma_wait3A_38 = tpu.memref_slice %arg29[%mul3A_29, %dma_wait3A_37] : memref<10240x64xf32, #tpu.memory_space<vmem_shared>> -> memref<640x64xf32, #tpu.memory_space<vmem_shared>>
      tpu.wait_dma2 semaphore(%run_scoped3A : memref<!tpu.dma_semaphore, #tpu.memory_space<semaphore_mem>>) src(%dma_wait3A_38 : memref<640x64xf32, #tpu.memory_space<vmem_shared>>) dst(%dma_wait3A_36 : memref<640x64xf32, #tpu.memory_space<hbm>>)
      tpu.yield
    }) : () -> ()
    "tpu.region"() ({
      %run_scoped3A = tpu.sem_alloc : memref<!tpu.dma_semaphore, #tpu.memory_space<semaphore_mem>>
      %dma_start3A = arith.constant 0 : i32
      %dma_start3A_33 = tpu.memref_slice %arg7[%add3A_32, %dma_start3A] : memref<20480x64xf32, #tpu.memory_space<hbm>> -> memref<640x64xf32, #tpu.memory_space<hbm>>
      %dma_start3A_34 = arith.constant 0 : i32
      %dma_start3A_35 = tpu.memref_slice %arg30[%mul3A_29, %dma_start3A_34] : memref<10240x64xf32, #tpu.memory_space<vmem_shared>> -> memref<640x64xf32, #tpu.memory_space<vmem_shared>>
      tpu.enqueue_dma source(%dma_start3A_35 : memref<640x64xf32, #tpu.memory_space<vmem_shared>>) target(%dma_start3A_33 : memref<640x64xf32, #tpu.memory_space<hbm>>) target_semaphore(%run_scoped3A : memref<!tpu.dma_semaphore, #tpu.memory_space<semaphore_mem>>)
      %dma_wait3A = arith.constant 0 : i32
      %dma_wait3A_36 = tpu.memref_slice %arg7[%add3A_32, %dma_wait3A] : memref<20480x64xf32, #tpu.memory_space<hbm>> -> memref<640x64xf32, #tpu.memory_space<hbm>>
      %dma_wait3A_37 = arith.constant 0 : i32
      %dma_wait3A_38 = tpu.memref_slice %arg30[%mul3A_29, %dma_wait3A_37] : memref<10240x64xf32, #tpu.memory_space<vmem_shared>> -> memref<640x64xf32, #tpu.memory_space<vmem_shared>>
      tpu.wait_dma2 semaphore(%run_scoped3A : memref<!tpu.dma_semaphore, #tpu.memory_space<semaphore_mem>>) src(%dma_wait3A_38 : memref<640x64xf32, #tpu.memory_space<vmem_shared>>) dst(%dma_wait3A_36 : memref<640x64xf32, #tpu.memory_space<hbm>>)
      tpu.yield
    }) : () -> ()
    "tpu.region"() ({
      %run_scoped3A = tpu.sem_alloc : memref<!tpu.dma_semaphore, #tpu.memory_space<semaphore_mem>>
      %dma_start3A = arith.constant 0 : i32
      %dma_start3A_33 = tpu.memref_slice %arg8[%add3A_32, %dma_start3A] : memref<20480x16xf32, #tpu.memory_space<hbm>> -> memref<640x16xf32, #tpu.memory_space<hbm>>
      %dma_start3A_34 = arith.constant 0 : i32
      %dma_start3A_35 = tpu.memref_slice %arg31[%mul3A_29, %dma_start3A_34] : memref<10240x16xf32, #tpu.memory_space<vmem_shared>> -> memref<640x16xf32, #tpu.memory_space<vmem_shared>>
      tpu.enqueue_dma source(%dma_start3A_35 : memref<640x16xf32, #tpu.memory_space<vmem_shared>>) target(%dma_start3A_33 : memref<640x16xf32, #tpu.memory_space<hbm>>) target_semaphore(%run_scoped3A : memref<!tpu.dma_semaphore, #tpu.memory_space<semaphore_mem>>)
      %dma_wait3A = arith.constant 0 : i32
      %dma_wait3A_36 = tpu.memref_slice %arg8[%add3A_32, %dma_wait3A] : memref<20480x16xf32, #tpu.memory_space<hbm>> -> memref<640x16xf32, #tpu.memory_space<hbm>>
      %dma_wait3A_37 = arith.constant 0 : i32
      %dma_wait3A_38 = tpu.memref_slice %arg31[%mul3A_29, %dma_wait3A_37] : memref<10240x16xf32, #tpu.memory_space<vmem_shared>> -> memref<640x16xf32, #tpu.memory_space<vmem_shared>>
      tpu.wait_dma2 semaphore(%run_scoped3A : memref<!tpu.dma_semaphore, #tpu.memory_space<semaphore_mem>>) src(%dma_wait3A_38 : memref<640x16xf32, #tpu.memory_space<vmem_shared>>) dst(%dma_wait3A_36 : memref<640x16xf32, #tpu.memory_space<hbm>>)
      tpu.yield
    }) : () -> ()
    return
  }
}

module attributes {stable_mosaic.version = 14 : i64} {
  func.func @body(%arg0: i32, %arg1: memref<2x1000x64xf32, #tpu.memory_space<vmem>>, %arg2: memref<2x1000x64xf32, #tpu.memory_space<vmem>>, %arg3: memref<2x1000x16xf32, #tpu.memory_space<vmem>>, %arg4: memref<1000x128xf32, #tpu.memory_space<vmem>>, %arg5: memref<64x128xf32, #tpu.memory_space<vmem>>, %arg6: memref<64x128xf32, #tpu.memory_space<vmem>>, %arg7: memref<16x128xf32, #tpu.memory_space<vmem>>, %arg8: memref<128x128xf32, #tpu.memory_space<vmem>>, %arg9: memref<1x128xf32, #tpu.memory_space<vmem>>, %arg10: memref<1000x128xf32, #tpu.memory_space<vmem>>) attributes {dimension_semantics = [#tpu.dimension_semantics<arbitrary>], iteration_bounds = array<i64: 10>, scalar_prefetch = 0 : i64, scratch_operands = 0 : i64, tpu.core_type = #tpu.core_type<tc>, window_params = [{transform_indices = @transform_0, window_bounds = array<i64: 2, 1000, 64>}, {transform_indices = @transform_1, window_bounds = array<i64: 2, 1000, 64>}, {transform_indices = @transform_2, window_bounds = array<i64: 2, 1000, 16>}, {transform_indices = @transform_3, window_bounds = array<i64: 1000, 128>}, {pipeline_mode = #tpu.pipeline_mode<synchronous>, transform_indices = @transform_4, window_bounds = array<i64: 64, 128>}, {pipeline_mode = #tpu.pipeline_mode<synchronous>, transform_indices = @transform_5, window_bounds = array<i64: 64, 128>}, {pipeline_mode = #tpu.pipeline_mode<synchronous>, transform_indices = @transform_6, window_bounds = array<i64: 16, 128>}, {pipeline_mode = #tpu.pipeline_mode<synchronous>, transform_indices = @transform_7, window_bounds = array<i64: 128, 128>}, {pipeline_mode = #tpu.pipeline_mode<synchronous>, transform_indices = @transform_8, window_bounds = array<i64: 1, 128>}, {transform_indices = @transform_9, window_bounds = array<i64: 1000, 128>}]} {
    %get3A = arith.constant 0 : index
    %get3A_0 = arith.constant 0 : index
    %get3A_1 = arith.constant 0 : index
    %get3A_2 = vector.load %arg1[%get3A, %get3A_0, %get3A_1] : memref<2x1000x64xf32, #tpu.memory_space<vmem>>, vector<1x1000x64xf32>
    %get3A_3 = vector.shape_cast %get3A_2 : vector<1x1000x64xf32> to vector<1000x64xf32>
    %get3A_4 = arith.constant 1 : index
    %get3A_5 = arith.constant 0 : index
    %get3A_6 = arith.constant 0 : index
    %get3A_7 = vector.load %arg1[%get3A_4, %get3A_5, %get3A_6] : memref<2x1000x64xf32, #tpu.memory_space<vmem>>, vector<1x1000x64xf32>
    %get3A_8 = vector.shape_cast %get3A_7 : vector<1x1000x64xf32> to vector<1000x64xf32>
    %add3A = arith.addf %get3A_3, %get3A_8 : vector<1000x64xf32>
    %get3A_9 = arith.constant 0 : index
    %get3A_10 = arith.constant 0 : index
    %get3A_11 = arith.constant 0 : index
    %get3A_12 = vector.load %arg2[%get3A_9, %get3A_10, %get3A_11] : memref<2x1000x64xf32, #tpu.memory_space<vmem>>, vector<1x1000x64xf32>
    %get3A_13 = vector.shape_cast %get3A_12 : vector<1x1000x64xf32> to vector<1000x64xf32>
    %get3A_14 = arith.constant 1 : index
    %get3A_15 = arith.constant 0 : index
    %get3A_16 = arith.constant 0 : index
    %get3A_17 = vector.load %arg2[%get3A_14, %get3A_15, %get3A_16] : memref<2x1000x64xf32, #tpu.memory_space<vmem>>, vector<1x1000x64xf32>
    %get3A_18 = vector.shape_cast %get3A_17 : vector<1x1000x64xf32> to vector<1000x64xf32>
    %add3A_19 = arith.addf %get3A_13, %get3A_18 : vector<1000x64xf32>
    %get3A_20 = arith.constant 0 : index
    %get3A_21 = arith.constant 0 : index
    %get3A_22 = arith.constant 0 : index
    %get3A_23 = vector.load %arg3[%get3A_20, %get3A_21, %get3A_22] : memref<2x1000x16xf32, #tpu.memory_space<vmem>>, vector<1x1000x16xf32>
    %get3A_24 = vector.shape_cast %get3A_23 : vector<1x1000x16xf32> to vector<1000x16xf32>
    %get3A_25 = arith.constant 1 : index
    %get3A_26 = arith.constant 0 : index
    %get3A_27 = arith.constant 0 : index
    %get3A_28 = vector.load %arg3[%get3A_25, %get3A_26, %get3A_27] : memref<2x1000x16xf32, #tpu.memory_space<vmem>>, vector<1x1000x16xf32>
    %get3A_29 = vector.shape_cast %get3A_28 : vector<1x1000x16xf32> to vector<1000x16xf32>
    %add3A_30 = arith.addf %get3A_24, %get3A_29 : vector<1000x16xf32>
    %get3A_31 = arith.constant 0 : index
    %get3A_32 = arith.constant 0 : index
    %get3A_33 = vector.load %arg5[%get3A_31, %get3A_32] : memref<64x128xf32, #tpu.memory_space<vmem>>, vector<64x128xf32>
    %dot_general3A = arith.constant dense<0.000000e+00> : vector<1000x128xf32>
    %dot_general3A_34 = tpu.matmul %add3A, %get3A_33, %dot_general3A {dimension_numbers = #tpu.dot_dimension_numbers<[1], [0], [0], [1], [0, 0, 1, 1], [], []>, transpose_lhs_hint = false} : vector<1000x64xf32>, vector<64x128xf32>, vector<1000x128xf32> -> vector<1000x128xf32>
    %get3A_35 = arith.constant 0 : index
    %get3A_36 = arith.constant 0 : index
    %get3A_37 = vector.load %arg6[%get3A_35, %get3A_36] : memref<64x128xf32, #tpu.memory_space<vmem>>, vector<64x128xf32>
    %dot_general3A_38 = arith.constant dense<0.000000e+00> : vector<1000x128xf32>
    %dot_general3A_39 = tpu.matmul %add3A_19, %get3A_37, %dot_general3A_38 {dimension_numbers = #tpu.dot_dimension_numbers<[1], [0], [0], [1], [0, 0, 1, 1], [], []>, transpose_lhs_hint = false} : vector<1000x64xf32>, vector<64x128xf32>, vector<1000x128xf32> -> vector<1000x128xf32>
    %add3A_40 = arith.addf %dot_general3A_34, %dot_general3A_39 : vector<1000x128xf32>
    %get3A_41 = arith.constant 0 : index
    %get3A_42 = arith.constant 0 : index
    %get3A_43 = vector.load %arg7[%get3A_41, %get3A_42] : memref<16x128xf32, #tpu.memory_space<vmem>>, vector<16x128xf32>
    %dot_general3A_44 = arith.constant dense<0.000000e+00> : vector<1000x128xf32>
    %dot_general3A_45 = tpu.matmul %add3A_30, %get3A_43, %dot_general3A_44 {dimension_numbers = #tpu.dot_dimension_numbers<[1], [0], [0], [1], [0, 0, 1, 1], [], []>, transpose_lhs_hint = false} : vector<1000x16xf32>, vector<16x128xf32>, vector<1000x128xf32> -> vector<1000x128xf32>
    %add3A_46 = arith.addf %add3A_40, %dot_general3A_45 : vector<1000x128xf32>
    %get3A_47 = arith.constant 0 : index
    %get3A_48 = arith.constant 0 : index
    %get3A_49 = vector.load %arg4[%get3A_47, %get3A_48] : memref<1000x128xf32, #tpu.memory_space<vmem>>, vector<1000x128xf32>
    %get3A_50 = arith.constant 0 : index
    %get3A_51 = arith.constant 0 : index
    %get3A_52 = vector.load %arg8[%get3A_50, %get3A_51] : memref<128x128xf32, #tpu.memory_space<vmem>>, vector<128x128xf32>
    %dot_general3A_53 = arith.constant dense<0.000000e+00> : vector<1000x128xf32>
    %dot_general3A_54 = tpu.matmul %get3A_49, %get3A_52, %dot_general3A_53 {dimension_numbers = #tpu.dot_dimension_numbers<[1], [0], [0], [1], [0, 0, 1, 1], [], []>, transpose_lhs_hint = false} : vector<1000x128xf32>, vector<128x128xf32>, vector<1000x128xf32> -> vector<1000x128xf32>
    %add3A_55 = arith.addf %add3A_46, %dot_general3A_54 : vector<1000x128xf32>
    %get3A_56 = arith.constant 0 : index
    %get3A_57 = arith.constant 0 : index
    %get3A_58 = vector.load %arg9[%get3A_56, %get3A_57] : memref<1x128xf32, #tpu.memory_space<vmem>>, vector<1x128xf32>
    %add3A_59 = vector.broadcast %get3A_58 : vector<1x128xf32> to vector<1000x128xf32>
    %add3A_60 = arith.addf %add3A_55, %add3A_59 : vector<1000x128xf32>
    %logistic3A = arith.negf %add3A_60 : vector<1000x128xf32>
    %logistic3A_61 = math.exp %logistic3A : vector<1000x128xf32>
    %logistic3A_62 = arith.constant 1.000000e+00 : f32
    %logistic3A_63 = vector.broadcast %logistic3A_62 : f32 to vector<1000x128xf32>
    %logistic3A_64 = arith.addf %logistic3A_63, %logistic3A_61 : vector<1000x128xf32>
    %logistic3A_65 = arith.divf %logistic3A_63, %logistic3A_64 : vector<1000x128xf32>
    %mul3A = arith.mulf %add3A_60, %logistic3A_65 : vector<1000x128xf32>
    %swap3A = arith.constant 0 : index
    %swap3A_66 = arith.constant 0 : index
    %swap3A_67 = vector.load %arg10[%swap3A, %swap3A_66] : memref<1000x128xf32, #tpu.memory_space<vmem>>, vector<1000x128xf32>
    tpu.vector_store %arg10[%swap3A, %swap3A_66], %mul3A {strides = array<i32>} : memref<1000x128xf32, #tpu.memory_space<vmem>>, vector<1000x128xf32>,
    return
  }
  func.func @transform_0(%arg0: i32) -> (i32, i32, i32) {
    %c0_i32 = arith.constant 0 : i32
    %c0_i32_0 = arith.constant 0 : i32
    %c0_i32_1 = arith.constant 0 : i32
    return %c0_i32, %arg0, %c0_i32_0 : i32, i32, i32
  }
  func.func @transform_1(%arg0: i32) -> (i32, i32, i32) {
    %c0_i32 = arith.constant 0 : i32
    %c0_i32_0 = arith.constant 0 : i32
    %c0_i32_1 = arith.constant 0 : i32
    return %c0_i32, %arg0, %c0_i32_0 : i32, i32, i32
  }
  func.func @transform_2(%arg0: i32) -> (i32, i32, i32) {
    %c0_i32 = arith.constant 0 : i32
    %c0_i32_0 = arith.constant 0 : i32
    %c0_i32_1 = arith.constant 0 : i32
    return %c0_i32, %arg0, %c0_i32_0 : i32, i32, i32
  }
  func.func @transform_3(%arg0: i32) -> (i32, i32) {
    %c0_i32 = arith.constant 0 : i32
    %c0_i32_0 = arith.constant 0 : i32
    return %arg0, %c0_i32 : i32, i32
  }
  func.func @transform_4(%arg0: i32) -> (i32, i32) {
    %c0_i32 = arith.constant 0 : i32
    %c0_i32_0 = arith.constant 0 : i32
    %c0_i32_1 = arith.constant 0 : i32
    return %c0_i32, %c0_i32_0 : i32, i32
  }
  func.func @transform_5(%arg0: i32) -> (i32, i32) {
    %c0_i32 = arith.constant 0 : i32
    %c0_i32_0 = arith.constant 0 : i32
    %c0_i32_1 = arith.constant 0 : i32
    return %c0_i32, %c0_i32_0 : i32, i32
  }
  func.func @transform_6(%arg0: i32) -> (i32, i32) {
    %c0_i32 = arith.constant 0 : i32
    %c0_i32_0 = arith.constant 0 : i32
    %c0_i32_1 = arith.constant 0 : i32
    return %c0_i32, %c0_i32_0 : i32, i32
  }
  func.func @transform_7(%arg0: i32) -> (i32, i32) {
    %c0_i32 = arith.constant 0 : i32
    %c0_i32_0 = arith.constant 0 : i32
    %c0_i32_1 = arith.constant 0 : i32
    return %c0_i32, %c0_i32_0 : i32, i32
  }
  func.func @transform_8(%arg0: i32) -> (i32, i32) {
    %c0_i32 = arith.constant 0 : i32
    %c0_i32_0 = arith.constant 0 : i32
    %c0_i32_1 = arith.constant 0 : i32
    return %c0_i32, %c0_i32_0 : i32, i32
  }
  func.func @transform_9(%arg0: i32) -> (i32, i32) {
    %c0_i32 = arith.constant 0 : i32
    %c0_i32_0 = arith.constant 0 : i32
    return %arg0, %c0_i32 : i32, i32
  }
}

</mosaic_0001>

<sc_bundles>
// kernel: kernel.4.cloned.1.call-start
scs
__scs_entry_jumppad:
0x0: {  	(pc) =	sbr.rel $0x88, $3  }
0x1: {  	(tag) =	ssettag $0x0;
	lr =	simm.s32 $0x1  }
0x2: {  	[smem:$0x3F9B] =	sst lr;
	_ =	strace $0xD0000000  }
0x3: {  	_ = 	snop  }
0x4: {  	_ = 	snop  }
0x5: {  	_ = 	snop  }
0x6: {  	_ = 	snop  }
0x7: {  	_ = 	snop  }
__scs_overlays_trampoline_lowered:
0x8: {  	[smem:$0x3FAA] =	sst s0  }
0x9: {  	[smem:$0x3FAB] =	sst s1  }
0xa: {  	[smem:$0x3FAC] =	sst s2  }
0xb: {  	[smem:$0x3FAD] =	sst s3  }
0xc: {  	[smem:$0x3FAE] =	sst s4  }
0xd: {  	[smem:$0x3FAF] =	sst s5  }
0xe: {  	[smem:$0x3FB0] =	sst s6  }
0xf: {  	[smem:$0x3FB1] =	sst s7  }
0x10: {  	[smem:$0x3FB2] =	sst s8  }
0x11: {  	[smem:$0x3FB3] =	sst s9;
	s0 =	simm.s32 @!p0 $0x0  }
0x12: {  	s1 =	sld [smem:$0x3F99];
	s0 =	simm.s32 @p0 $0x1  }
0x13: {  	[smem:$0x3FB4] =	sst s0;
	s0 =	simm.s32 @!p1 $0x0  }
0x14: {  	s2 =	sld [smem:$0x3F98];
	s0 =	simm.s32 @p1 $0x1  }
0x15: {  	[smem:$0x3FB5] =	sst s0;
	s0 =	simm.s32 @!p2 $0x0  }
0x16: {  	s3 =	sld [smem:$0x3FDB];
	s0 =	simm.s32 @p2 $0x1  }
0x17: {  	s4 =	simm.s32 $0x1BF5;
	[smem:$0x3FB7] =	sst s0  }
0x18: {  	s0 =	sld [smem:$0x3F9A];
	_ =	swait.ge [sflag:s4], $0x0  }
0x19: {  	s7 =	sld [smem:$0x3F9B]  }
0x1a: {  	s8 =	sadd.s32 $0xFFFFE003, lr  }
0x1b: {  	s9 =	sadd.s32 $0xFFFFFEF7, lr;
	s5 =	simm.s32 $0xFFFFFFFF;
	p2 =	slt.u32 s8, $0xFFFFF086  }
0x1c: {  	p1 =	slt.u32 s9, $0xF7A;
	s5 =	simm.s32 @!p2 $0x0  }
0x1d: {  	s5 =	simm.s32 @p1 $0x1;
	p0 =	seq.s32 s7, s2  }
0x1e: {  	s7 =	smul.u32 @!p0 $0xF7A, s2;
	p2 =	seq.s32 @!p0 s5, $0x0  }
0x1f: {  	s9 =	smul.u32 $0xF7A, s1;
	s8 =	simm.s32 @!p0 $0x1BF5;
	p2 =	por !p2, p0  }
0x20: {  	[sflag:s8] =	ssyncset.s32 @!p0 $0xFFFFF086;
	s6 =	sadd.s32 @!p0 s3, s7;
	s7 =	simm.s32 @!p0 $0x108  }
0x21: {  	s3 =	sadd.s32 s3, s9;
	s6 =	sadd.s32 @!p0 $0x88, s6;
	s7 =	simm.s32 @p2 $0x1082  }
0x22: {  	[simem:s7], [sflag:s8] =	dma.local @!p0 [hbm:s6], $0xF7A  }
0x23: {  	s9 =	sor.u32 $0xD0000000, s2;
	s6 =	simm.s32 $0x108;
	_ =	swait.ge @!p0 [sflag:s8], $0x0  }
0x24: {  	s3 =	sadd.s32 $0x88, s3;
	s6 =	simm.s32 @!p1 $0x1082;
	[sflag:s4] =	ssyncset.s32 $0xFFFFF086  }
0x25: {  	[simem:s6], [sflag:s4] =	dma.local [hbm:s3], $0xF7A  }
0x26: {  	[smem:$0x3F9B] =	sst s1;
	(tag) =	ssettag s2;
	_ =	strace s9  }
0x27: {  	s1 =	sld [smem:$0x3FAB]  }
0x28: {  	s2 =	sld [smem:$0x3FAC]  }
0x29: {  	s4 =	sld [smem:$0x3FAE]  }
0x2a: {  	p0 =	seq.s32 s5, $0x0;
	s5 =	sld [smem:$0x3FAF]  }
0x2b: {  	s6 =	sld [smem:$0x3FB0]  }
0x2c: {  	s7 =	sld [smem:$0x3FB1]  }
0x2d: {  	s3 =	simm.s32 $0x108;
	s8 =	sld [smem:$0x3FB2]  }
0x2e: {  	s3 =	simm.s32 @!p0 $0x1082;
	s9 =	sld [smem:$0x3FB3]  }
0x2f: {  	lr =	sadd.s32 s0, s3;
	s0 =	sld [smem:$0x3FAA]  }
0x30: {  	s3 =	sld [smem:$0x3FAD]  }
0x31: {  	[smem:$0x3FB6] =	sst s10  }
0x32: {  	s10 =	sld [smem:$0x3FB4];
	_ =	sdelay $0x3  }
0x33: {  	p0 =	seq.s32 s10, $0x1;
	s10 =	sld [smem:$0x3FB6];
	_ =	sdelay $0x3  }
0x34: {  	[smem:$0x3FB6] =	sst s10  }
0x35: {  	s10 =	sld [smem:$0x3FB5];
	_ =	sdelay $0x3  }
0x36: {  	p1 =	seq.s32 s10, $0x1;
	s10 =	sld [smem:$0x3FB6];
	_ =	sdelay $0x3  }
0x37: {  	[smem:$0x3FB6] =	sst s10  }
0x38: {  	s10 =	sld [smem:$0x3FB7]  }
0x39: {  	_ = 	snop;
	(pc) =	sbr.ind lr, $3  }
0x3a: {  	_ = 	snop  }
0x3b: {  	_ = 	snop  }
0x3c: {  	p2 =	seq.s32 s10, $0x1;
	s10 =	sld [smem:$0x3FB6]  }
0x3d: {  	_ =	shalt  }
0x3e: {  	_ =	shalt  }
0x3f: {  	_ =	shalt  }
0x40: {  	_ =	shalt  }
0x41: {  	_ =	shalt  }
0x42: {  	_ =	shalt  }
0x43: {  	_ =	shalt  }
0x44: {  	_ =	shalt  }
0x45: {  	_ =	shalt  }
0x46: {  	_ =	shalt  }
0x47: {  	_ =	shalt  }
0x48: {  	_ =	shalt  }
0x49: {  	_ =	shalt  }
0x4a: {  	_ =	shalt  }
0x4b: {  	_ =	shalt  }
0x4c: {  	_ =	shalt  }
0x4d: {  	_ =	shalt  }
0x4e: {  	_ =	shalt  }
0x4f: {  	_ =	shalt  }
0x50: {  	_ =	shalt  }
0x51: {  	_ =	shalt  }
0x52: {  	_ =	shalt  }
0x53: {  	_ =	shalt  }
0x54: {  	_ =	shalt  }
0x55: {  	_ =	shalt  }
0x56: {  	_ =	shalt  }
0x57: {  	_ =	shalt  }
0x58: {  	_ =	shalt  }
0x59: {  	_ =	shalt  }
0x5a: {  	_ =	shalt  }
0x5b: {  	_ =	shalt  }
0x5c: {  	_ =	shalt  }
0x5d: {  	_ =	shalt  }
0x5e: {  	_ =	shalt  }
0x5f: {  	_ =	shalt  }
0x60: {  	_ =	shalt  }
0x61: {  	_ =	shalt  }
0x62: {  	_ =	shalt  }
0x63: {  	_ =	shalt  }
0x64: {  	_ =	shalt  }
0x65: {  	_ =	shalt  }
0x66: {  	_ =	shalt  }
0x67: {  	_ =	shalt  }
0x68: {  	_ =	shalt  }
0x69: {  	_ =	shalt  }
0x6a: {  	_ =	shalt  }
0x6b: {  	_ =	shalt  }
0x6c: {  	_ =	shalt  }
0x6d: {  	_ =	shalt  }
0x6e: {  	_ =	shalt  }
0x6f: {  	_ =	shalt  }
0x70: {  	_ =	shalt  }
0x71: {  	_ =	shalt  }
0x72: {  	_ =	shalt  }
0x73: {  	_ =	shalt  }
0x74: {  	_ =	shalt  }
0x75: {  	_ =	shalt  }
0x76: {  	_ =	shalt  }
0x77: {  	_ =	shalt  }
0x78: {  	_ =	shalt  }
0x79: {  	_ =	shalt  }
0x7a: {  	_ =	shalt  }
0x7b: {  	_ =	shalt  }
0x7c: {  	_ =	shalt  }
0x7d: {  	_ =	shalt  }
0x7e: {  	_ =	shalt  }
0x7f: {  	_ =	shalt  }
0x80: {  	_ =	shalt  }
0x81: {  	_ =	shalt  }
0x82: {  	_ =	shalt  }
0x83: {  	_ =	shalt  }
0x84: {  	_ =	shalt  }
0x85: {  	_ =	shalt  }
0x86: {  	_ =	shalt  }
0x87: {  	_ =	shalt  }
.Lfunc_end0:
.L_simem_size_0:
called_computation_lowered:
.L_overlay_start_0:
0x88: {  	s2 =	sld [smem:$0x3FD9]  }
0x89: {  	s3 =	sld [smem:$0x3FFE];
	_ =	sdelay $0x1  }
0x8a: {  	s1 =	srdreg.scid  }
0x8b: {  	s0 =	sand.u32 $0x1, s1  }
0x8c: {  	s17 =	sshll.u32 s0, $0xA;
	s2 =	sadd.s32 s3, s2  }
0x8d: {  	s2 =	sadd.s32 s2, s17  }
0x8e: {  	[smem:$0x3FC2] =	sst s2  }
0x8f: {  	_ = 	snop  }
0x90: {  	s2 =	sld [smem:$0x3FC9]  }
0x91: {  	s18 =	sld [smem:$0x3FD0];
	(tm) =	ssettm $0x1  }
0x92: {  	s4 =	sld [smem:$0x3FFB];
	_ =	sdelay $0x3  }
0x93: {  	_ =	strace s4  }
0x94: {  	s4 =	sld [smem:$0x3FFC];
	_ =	sdelay $0x3  }
0x95: {  	_ =	strace s4  }
0x96: {  	s4 =	sld [smem:$0x3FFD];
	_ =	sdelay $0x3  }
0x97: {  	_ =	strace s4  }
0x98: {  	_ =	strace $0x8FFFFFFF  }
0x99: {  	s19 =	sld [smem:$0x3FDB];
	_ =	sdelay $0x1  }
0x9a: {  	s5 =	simm.s32 $_scs_section_size  }
0x9b: {  	s6 =	simm.s32 $_size__tile_overlayer_lowered;
	s7 =	simm.s32 $_tile_overlayer_lowered  }
0x9c: {  	s22 =	simm.s32 $0x1BFF;
	s21 =	sshll.u32 s7, $0x1;
	s4 =	sadd.s32 s5, s19  }
0x9d: {  	s8 =	simm.s32 $0x0;
	s20 =	sshll.u32 s6, $0x1;
	s6 =	sadd.s32 s21, s4  }
0x9e: {  	[timem:s8], [sflag:s22] =	dma.local [hbm:s6], s20  }
0x9f: {  	_ =	swait.ge [sflag:s22], s20  }
0xa0: {  	s5 =	ssub.s32 $0x0, s20;
	[sflag:s22] =	ssyncset.done $0x0  }
0xa1: {  	[sflag:s22] =	ssyncadd.s32 s5;
	_ =	sdelay $0x1  }
0xa2: {  	s23 =	simm.s32 $0x1B8B  }
0xa3: {  	_ =	swait.ge [sflag:s23], $0x1  }
0xa4: {  	[sflag:s23] =	ssyncset.done $0x0  }
0xa5: {  	s25 =	simm.s32 $0x1B8E;
	s24 =	sld [smem:$0x3FFE];
	[sflag:s23] =	ssyncadd.s32 $0xFFFFFFFF  }
0xa6: {  	s26 =	simm.s32 $execute0_lowered;
	[smem:$0x3FD2] =	sst s25  }
0xa7: {  	s6 =	sshll.u32 s26, $0x1;
	_ =	strace $0x80000046;
	[dreg:$0x1] =	wrdreg $0xFFFFFFFF  }
0xa8: {  	s28 =	simm.s32 $_size_execute0_lowered;
	s4 =	sadd.s32 s4, s6;
	[dreg:$0x0] =	wrdreg $0x0  }
0xa9: {  	s6 =	sshll.u32 s28, $0x1;
	[dreg:$0x2] =	wrdreg s4  }
0xaa: {  	[dreg:$0x3] =	wrdreg s6  }
0xab: {  	[dreg:$0x4] =	wrdreg $0xC0  }
0xac: {  	_ =	task [dreg:s8], $0x5FFFF  }
0xad: {  	[dreg:$0x1] =	wrdreg $0xFFFFFFFF  }
0xae: {  	[dreg:$0x0] =	wrdreg $0x60  }
0xaf: {  	[dreg:$0x2] =	wrdreg s2  }
0xb0: {  	[dreg:$0x3] =	wrdreg s24  }
0xb1: {  	[dreg:$0x4] =	wrdreg s18  }
0xb2: {  	[dreg:$0x5] =	wrdreg $0x6F000  }
0xb3: {  	[dreg:$0x6] =	wrdreg $0x10F000  }
0xb4: {  	[dreg:$0x7] =	wrdreg $0x1AF000  }
0xb5: {  	[dreg:$0x8] =	wrdreg $0x9  }
0xb6: {  	_ =	task.clear_ibuf [dreg:s8], $0x9FFFF;
	_ =	strace $0x90000046  }
0xb7: {  	s29 =	simm.s32 $0x9;
	_ =	strace $0x80000048  }
0xb8: {  	_ =	swait.ge [sflag:s29], $0x1  }
0xb9: {  	[sflag:s29] =	ssyncadd.s32 $0xFFFFFFFF  }
0xba: {  	_ =	strace $0x90000048  }
0xbb: {  	_ =	sfence  }
0xbc: {  	s30 =	sld [smem:$0x0];
	_ =	sdelay $0x2  }
0xbd: {  	s31 =	sshll.u32 s1, $0xD;
	s1 =	sshrl.u32 s1, $0x2  }
0xbe: {  	s3 =	sand.u32 $0x4000, s31;
	s1 =	sadd.s32 s1, s30  }
0xbf: {  	s0 =	sor.u32 s3, s0;
	s1 =	sshll.u32 s1, $0x11  }
0xc0: {  	s0 =	sor.u32 s1, s0  }
0xc1: {  	s0 =	sadd.s32 $0x8F2B, s0  }
0xc2: {  	[sflag:s0] =	ssyncadd.remote.s32 $0x1  }
0xc3: {  	_ =	sfence.sel $0xFFFF  }
0xc4: {  	[dreg:$0x0] =	wrdreg $0xFFFFFFFF;
	(pc) =	sbr.abs _section_cstart, $3  }
0xc5: {  	[dreg:$0x1] =	wrdreg $0xFFFFFFFF  }
0xc6: {  	_ =	task.clear_ibuf [dreg:s8], $0x2FFFF;
	_ =	strace $0x9FFFFFFF  }
0xc7: {  	(tm) =	ssettm $0x7FFFFFFF  }
tec
execute0_lowered:
.L_overlay_start_1:
0x0: {  	(tag) =	ssettag $0x1  }
0x1: {  	s0 =	rddreg [dreg:$0x0]  }
0x2: {  	s3 =	rddreg [dreg:$0x1]  }
0x3: {  	s7 =	rddreg [dreg:$0x2]  }
0x4: {  	s2 =	rddreg [dreg:$0x3]  }
0x5: {  	s4 =	rddreg [dreg:$0x4];
	s1 =	srdreg.scid  }
0x6: {  	s16 =	stileid.u32;
	s5 =	rddreg [dreg:$0x5]  }
0x7: {  	s6 =	simm.s32 $0x0;
	s28 =	simm.s32 $0x4;
	s29 =	simm.s32 $0x5  }
0x8: {  	s8 =	sand.u32 $0x1, s1;
	s15 =	smul.u32 $0x280, s16;
	[smem:$0x7FF] =	sst s6  }
0x9: {  	s10 =	sadd.s32 $0xB4C00, s3;
	s11 =	sadd.s32 $0xAAC00, s3;
	s9 =	smul.u32 $0x2800, s8  }
0xa: {  	s22 =	smul.u32 $0x4F8, s16;
	_ =	strace $0x80000047;
	s12 =	ssub.s32 $0x2, s8  }
0xb: {  	s25 =	smul.u32 $0x27C00, s8;
	s14 =	sshrl.u32 s12, $0x1;
	s9 =	sadd.s32 s15, s9  }
0xc: {  	s12 =	ssub.s32 s12, s14;
	s15 =	smul.u32 $0x27C0, s16;
	s1 =	sshll.u32 s9, $0x3  }
0xd: {  	s9 =	sshll.u32 s9, $0x1;
	s20 =	smax.u32 s12, $0x1;
	s13 =	sadd.s32 s1, s3  }
0xe: {  	s1 =	smul.u32 $0xA000, s16;
	s7 =	sadd.s32 s7, s9;
	[dreg:$0x12] =	wrdreg s20  }
0xf: {  	s3 =	sadd.s32 $0xBC00, s3;
	s17 =	sadd.s32 $0xBEC00, s13;
	[dreg:$0x10] =	wrdreg s7  }
0x10: {  	s13 =	sadd.s32 $0xE6C00, s13;
	s7 =	smul.u32 $0x4F80, s8;
	[dreg:$0xe] =	wrdreg s17  }
0x11: {  	s8 =	smul.u32 $0x4F800, s8;
	[dreg:$0xf] =	wrdreg s13;
	s18 =	sshrl.u32 s1, $0x2  }
0x12: {  	s21 =	sor.u32 $0x1400, s1;
	s17 =	sadd.s32 $0x2800, s1;
	s13 =	sadd.s32 s15, s25  }
0x13: {  	s12 =	sadd.s32 $0x5000, s1;
	s15 =	sadd.s32 $0x6400, s1;
	s30 =	sadd.s32 s1, s2  }
0x14: {  	s31 =	sadd.s32 s1, s4;
	s19 =	sadd.s32 s18, s5;
	s23 =	sadd.s32 s21, s2  }
0x15: {  	s24 =	sadd.s32 s21, s4;
	s9 =	sshrl.u32 s21, $0x2;
	[dreg:$0x11] =	wrdreg s19  }
0x16: {  	s26 =	sadd.s32 s7, s10;
	s18 =	sadd.s32 s17, s2;
	[dreg:$0x13] =	wrdreg s23  }
0x17: {  	s7 =	sadd.s32 s7, s11;
	s20 =	sadd.s32 $0x60, s13;
	[dreg:$0x14] =	wrdreg s24  }
0x18: {  	s21 =	smul.u32 $0x4F80, s16;
	s13 =	sadd.s32 s12, s2;
	[dreg:$0x16] =	wrdreg s18  }
0x19: {  	s8 =	sadd.s32 s8, s3;
	s9 =	sadd.s32 s9, s5;
	[dreg:$0x1e] =	wrdreg s13  }
0x1a: {  	s14 =	sadd.s32 s22, s26;
	s19 =	sadd.s32 s17, s4;
	[dreg:$0x15] =	wrdreg s9  }
0x1b: {  	s7 =	sadd.s32 s22, s7;
	s22 =	sshrl.u32 s20, $0x3;
	[dreg:$0x7] =	wrdreg s14  }
0x1c: {  	s23 =	sadd.s32 $0x3C00, s1;
	s26 =	simm.s32 $0xC0;
	[dreg:$0x17] =	wrdreg s19  }
0x1d: {  	s18 =	sadd.s32 s15, s2;
	s13 =	simm.s32 $0x7;
	[dreg:$0x8] =	wrdreg s7  }
0x1e: {  	s9 =	sshrl.u32 s17, $0x2;
	s11 =	sadd.s32 s22, s11;
	[dreg:$0xb] =	wrdreg s26  }
0x1f: {  	s8 =	sadd.s32 s21, s8;
	s24 =	sadd.s32 s23, s2;
	[smem:$0x7F5] =	sst s18  }
0x20: {  	s7 =	sadd.s32 s22, s10;
	s25 =	sadd.s32 s23, s4;
	[dreg:$0x19] =	wrdreg s8  }
0x21: {  	s10 =	sshll.u32 s20, $0x1;
	s14 =	sshrl.u32 s12, $0x2;
	[dreg:$0x9] =	wrdreg s11  }
0x22: {  	s17 =	sshrl.u32 s15, $0x2;
	s19 =	sadd.s32 s15, s4;
	[dreg:$0x1a] =	wrdreg s24  }
0x23: {  	s20 =	sadd.s32 $0x7800, s1;
	s1 =	sadd.s32 $0x8C00, s1;
	[dreg:$0x1b] =	wrdreg s25  }
0x24: {  	s15 =	simm.s32 $0x60;
	s9 =	sadd.s32 s9, s5;
	[dreg:$0xa] =	wrdreg s7  }
0x25: {  	s8 =	sshrl.u32 s23, $0x2;
	s11 =	simm.s32 $0x3780;
	[smem:$0x7F6] =	sst s19  }
0x26: {  	s3 =	sadd.s32 s10, s3;
	s16 =	sadd.s32 s14, s5;
	[dreg:$0x18] =	wrdreg s9  }
0x27: {  	s21 =	sadd.s32 s20, s2;
	s22 =	sshrl.u32 s20, $0x2;
	[dreg:$0x1d] =	wrdreg s3  }
0x28: {  	s24 =	sshrl.u32 s1, $0x2;
	s25 =	sadd.s32 s1, s2;
	[dreg:$0xd] =	wrdreg s11  }
0x29: {  	s1 =	sadd.s32 s1, s4;
	s14 =	simm.s32 $0x3180;
	[smem:$0x7F4] =	sst s16  }
0x2a: {  	s19 =	simm.s32 $0x3840;
	s7 =	simm.s32 $0x0;
	[smem:$0x7F8] =	sst s21  }
0x2b: {  	s8 =	sadd.s32 s8, s5;
	s9 =	simm.s32 $0x120;
	[smem:$0x7FB] =	sst s25  }
0x2c: {  	s3 =	sadd.s32 s12, s4;
	s23 =	sadd.s32 s22, s5;
	[smem:$0x7FC] =	sst s1  }
0x2d: {  	s26 =	sadd.s32 s24, s5;
	s12 =	simm.s32 $0x180;
	[dreg:$0x1c] =	wrdreg s8  }
0x2e: {  	s16 =	simm.s32 $0x1980;
	s21 =	simm.s32 $0x38A0;
	[dreg:$0xc] =	wrdreg s9  }
0x2f: {  	s24 =	simm.s32 $0x6900;
	s25 =	simm.s32 $0x1;
	[dreg:$0x1f] =	wrdreg s3  }
0x30: {  	s1 =	simm.s32 $0x6;
	s3 =	sadd.s32 s17, s5;
	[smem:$0x7FA] =	sst s23  }
0x31: {  	[smem:$0x7FD] =	sst s26;
	s17 =	simm.s32 $0x37E0;
	s23 =	simm.s32 $0x5100  }
0x32: {  	s26 =	simm.s32 $0x2;
	[smem:$0x7F7] =	sst s3;
	s3 =	sadd.s32 s20, s4  }
0x33: {  	v0 =	vimm.f32 $0.0e+00;
	s20 =	simm.s32 $0x3900;
	[smem:$0x7F9] =	sst s3;
	s3 =	simm.s32 $0x3  }
.LBB2_1:
0x34: {  	s8 =	simm.s32 $0x0;
	s10 =	simm.s32 $0x0  }
.LBB2_2:
0x35: {  	p0 =	sne.s32 s10, $0x4FC0  }
.Ltmp0:
0x36: {  	_ = 	snop;
	(pc) =	sbr.rel @p0 .LBB2_2-.Ltmp0, $4  }
0x37: {  	s18 =	sand.u32 $0x7F00, s10  }
0x38: {  	s22 =	sand.u32 $0x30, s8;
	s18 =	sshrl.u32 s18, $0x2  }
0x39: {  	s18 =	sor.u32 s22, s18  }
0x3a: {  	s8 =	sadd.s32 $0x10, s8;
	s10 =	sadd.s32 $0x40, s10;
	[tilespmem:s18+$0x180] =	vst v0  }
0x3b: {  	s8 =	simm.s32 $0x40;
	s10 =	simm.s32 $0x0  }
.LBB2_4:
0x3c: {  	p0 =	sne.s32 s8, $0x13C0;
	[tilespmem:s10+$0x3180] =	vst v0;
	s10 =	smov.u32 s8;
	s8 =	sadd.s32 $0x40, s8  }
.Ltmp1:
0x3d: {  	(pc) =	sbr.rel @p0 .LBB2_4-.Ltmp1, $2  }
0x3e: {  	_ =	sdelay $0x2  }
0x3f: {  	s10 =	sshra.s32 s10, $0x2  }
0x40: {  	[tilespmem:s10+$0x3180] =	vst v0  }
0x41: {  	[spmem:s30] =	stream.linear.scatter [tilespmem:s12], [sflag:$0x7], $0x1400, $0x38;
	[tilespmem:$0x1D700] =	vst v63  }
0x42: {  	_ =	swait.ge [sflag:s13], $0x1400  }
0x43: {  	[sflag:s13] =	ssyncset.done $0x0  }
0x44: {  	[sflag:s13] =	ssyncadd.s32 $0xFFFFEC00  }
0x45: {  	[spmem:s31] =	stream.linear.scatter [tilespmem:s12], [sflag:$0x7], $0x1400, $0x38;
	[tilespmem:$0x1D700] =	vst v63  }
0x46: {  	_ =	swait.ge [sflag:s13], $0x1400  }
0x47: {  	[sflag:s13] =	ssyncset.done $0x0  }
0x48: {  	s8 =	rddreg [dreg:$0x11];
	[sflag:s13] =	ssyncadd.s32 $0xFFFFEC00  }
0x49: {  	[spmem:s8] =	stream.linear.scatter [tilespmem:s14], [sflag:$0x7], $0x500, $0x38;
	[tilespmem:$0x1D700] =	vst v63  }
0x4a: {  	_ =	swait.ge [sflag:s13], $0x500  }
0x4b: {  	[sflag:s13] =	ssyncset.done $0x0  }
0x4c: {  	s9 =	rddreg [dreg:$0x13];
	[sflag:s13] =	ssyncadd.s32 $0xFFFFFB00  }
0x4d: {  	[spmem:s9] =	stream.linear.scatter [tilespmem:s12], [sflag:$0x7], $0x1400, $0x38;
	[tilespmem:$0x1D700] =	vst v63  }
0x4e: {  	_ =	swait.ge [sflag:s13], $0x1400  }
0x4f: {  	[sflag:s13] =	ssyncset.done $0x0  }
0x50: {  	s10 =	rddreg [dreg:$0x14];
	[sflag:s13] =	ssyncadd.s32 $0xFFFFEC00  }
0x51: {  	[spmem:s10] =	stream.linear.scatter [tilespmem:s12], [sflag:$0x7], $0x1400, $0x38;
	[tilespmem:$0x1D700] =	vst v63  }
0x52: {  	_ =	swait.ge [sflag:s13], $0x1400  }
0x53: {  	[sflag:s13] =	ssyncset.done $0x0  }
0x54: {  	s11 =	rddreg [dreg:$0x15];
	[sflag:s13] =	ssyncadd.s32 $0xFFFFEC00  }
0x55: {  	[spmem:s11] =	stream.linear.scatter [tilespmem:s14], [sflag:$0x7], $0x500, $0x38;
	[tilespmem:$0x1D700] =	vst v63  }
0x56: {  	_ =	swait.ge [sflag:s13], $0x500  }
0x57: {  	[sflag:s13] =	ssyncset.done $0x0  }
0x58: {  	s18 =	rddreg [dreg:$0x16];
	[sflag:s13] =	ssyncadd.s32 $0xFFFFFB00  }
0x59: {  	[spmem:s18] =	stream.linear.scatter [tilespmem:s12], [sflag:$0x7], $0x1400, $0x38;
	[tilespmem:$0x1D700] =	vst v63  }
0x5a: {  	_ =	swait.ge [sflag:s13], $0x1400  }
0x5b: {  	[sflag:s13] =	ssyncset.done $0x0  }
0x5c: {  	s22 =	rddreg [dreg:$0x17];
	[sflag:s13] =	ssyncadd.s32 $0xFFFFEC00  }
0x5d: {  	[spmem:s22] =	stream.linear.scatter [tilespmem:s12], [sflag:$0x7], $0x1400, $0x38;
	[tilespmem:$0x1D700] =	vst v63  }
0x5e: {  	_ =	swait.ge [sflag:s13], $0x1400  }
0x5f: {  	[sflag:s13] =	ssyncset.done $0x0  }
0x60: {  	s9 =	rddreg [dreg:$0x18];
	[sflag:s13] =	ssyncadd.s32 $0xFFFFEC00  }
0x61: {  	[spmem:s9] =	stream.linear.scatter [tilespmem:s14], [sflag:$0x7], $0x500, $0x38;
	[tilespmem:$0x1D700] =	vst v63  }
0x62: {  	_ =	swait.ge [sflag:s13], $0x500  }
0x63: {  	[sflag:s13] =	ssyncset.done $0x0  }
0x64: {  	s10 =	rddreg [dreg:$0x1a];
	[sflag:s13] =	ssyncadd.s32 $0xFFFFFB00  }
0x65: {  	[spmem:s10] =	stream.linear.scatter [tilespmem:s12], [sflag:$0x7], $0x1400, $0x38;
	[tilespmem:$0x1D700] =	vst v63  }
0x66: {  	_ =	swait.ge [sflag:s13], $0x1400  }
0x67: {  	[sflag:s13] =	ssyncset.done $0x0  }
0x68: {  	s11 =	rddreg [dreg:$0x1b];
	[sflag:s13] =	ssyncadd.s32 $0xFFFFEC00  }
0x69: {  	[spmem:s11] =	stream.linear.scatter [tilespmem:s12], [sflag:$0x7], $0x1400, $0x38;
	[tilespmem:$0x1D700] =	vst v63  }
0x6a: {  	_ =	swait.ge [sflag:s13], $0x1400  }
0x6b: {  	[sflag:s13] =	ssyncset.done $0x0  }
0x6c: {  	s18 =	rddreg [dreg:$0x1c];
	[sflag:s13] =	ssyncadd.s32 $0xFFFFEC00  }
0x6d: {  	[spmem:s18] =	stream.linear.scatter [tilespmem:s14], [sflag:$0x7], $0x500, $0x38;
	[tilespmem:$0x1D700] =	vst v63  }
0x6e: {  	_ =	swait.ge [sflag:s13], $0x500  }
0x6f: {  	[sflag:s13] =	ssyncset.done $0x0  }
0x70: {  	s22 =	rddreg [dreg:$0x1e];
	[sflag:s13] =	ssyncadd.s32 $0xFFFFFB00  }
0x71: {  	[spmem:s22] =	stream.linear.scatter [tilespmem:s12], [sflag:$0x7], $0x1400, $0x38;
	[tilespmem:$0x1D700] =	vst v63  }
0x72: {  	_ =	swait.ge [sflag:s13], $0x1400  }
0x73: {  	[sflag:s13] =	ssyncset.done $0x0  }
0x74: {  	s9 =	rddreg [dreg:$0x1f];
	[sflag:s13] =	ssyncadd.s32 $0xFFFFEC00  }
0x75: {  	[spmem:s9] =	stream.linear.scatter [tilespmem:s12], [sflag:$0x7], $0x1400, $0x38;
	[tilespmem:$0x1D700] =	vst v63  }
0x76: {  	_ =	swait.ge [sflag:s13], $0x1400  }
0x77: {  	s10 =	sld [smem:$0x7F4]  }
0x78: {  	[sflag:s13] =	ssyncset.done $0x0  }
0x79: {  	[sflag:s13] =	ssyncadd.s32 $0xFFFFEC00  }
0x7a: {  	[spmem:s10] =	stream.linear.scatter [tilespmem:s14], [sflag:$0x7], $0x500, $0x38;
	[tilespmem:$0x1D700] =	vst v63  }
0x7b: {  	_ =	swait.ge [sflag:s13], $0x500  }
0x7c: {  	s11 =	sld [smem:$0x7F5]  }
0x7d: {  	[sflag:s13] =	ssyncset.done $0x0  }
0x7e: {  	[sflag:s13] =	ssyncadd.s32 $0xFFFFFB00  }
0x7f: {  	[spmem:s11] =	stream.linear.scatter [tilespmem:s12], [sflag:$0x7], $0x1400, $0x38;
	[tilespmem:$0x1D700] =	vst v63  }
0x80: {  	_ =	swait.ge [sflag:s13], $0x1400  }
0x81: {  	s18 =	sld [smem:$0x7F6]  }
0x82: {  	[sflag:s13] =	ssyncset.done $0x0  }
0x83: {  	[sflag:s13] =	ssyncadd.s32 $0xFFFFEC00  }
0x84: {  	[spmem:s18] =	stream.linear.scatter [tilespmem:s12], [sflag:$0x7], $0x1400, $0x38;
	[tilespmem:$0x1D700] =	vst v63  }
0x85: {  	_ =	swait.ge [sflag:s13], $0x1400  }
0x86: {  	s22 =	sld [smem:$0x7F7]  }
0x87: {  	[sflag:s13] =	ssyncset.done $0x0  }
0x88: {  	[sflag:s13] =	ssyncadd.s32 $0xFFFFEC00  }
0x89: {  	[spmem:s22] =	stream.linear.scatter [tilespmem:s14], [sflag:$0x7], $0x500, $0x38;
	[tilespmem:$0x1D700] =	vst v63  }
0x8a: {  	_ =	swait.ge [sflag:s13], $0x500  }
0x8b: {  	s9 =	sld [smem:$0x7F8]  }
0x8c: {  	[sflag:s13] =	ssyncset.done $0x0  }
0x8d: {  	[sflag:s13] =	ssyncadd.s32 $0xFFFFFB00  }
0x8e: {  	[spmem:s9] =	stream.linear.scatter [tilespmem:s12], [sflag:$0x7], $0x1400, $0x38;
	[tilespmem:$0x1D700] =	vst v63  }
0x8f: {  	_ =	swait.ge [sflag:s13], $0x1400  }
0x90: {  	s10 =	sld [smem:$0x7F9]  }
0x91: {  	[sflag:s13] =	ssyncset.done $0x0  }
0x92: {  	[sflag:s13] =	ssyncadd.s32 $0xFFFFEC00  }
0x93: {  	[spmem:s10] =	stream.linear.scatter [tilespmem:s12], [sflag:$0x7], $0x1400, $0x38;
	[tilespmem:$0x1D700] =	vst v63  }
0x94: {  	_ =	swait.ge [sflag:s13], $0x1400  }
0x95: {  	s11 =	sld [smem:$0x7FA]  }
0x96: {  	[sflag:s13] =	ssyncset.done $0x0  }
0x97: {  	[sflag:s13] =	ssyncadd.s32 $0xFFFFEC00  }
0x98: {  	[spmem:s11] =	stream.linear.scatter [tilespmem:s14], [sflag:$0x7], $0x500, $0x38;
	[tilespmem:$0x1D700] =	vst v63  }
0x99: {  	_ =	swait.ge [sflag:s13], $0x500  }
0x9a: {  	s18 =	sld [smem:$0x7FB]  }
0x9b: {  	[sflag:s13] =	ssyncset.done $0x0  }
0x9c: {  	[sflag:s13] =	ssyncadd.s32 $0xFFFFFB00  }
0x9d: {  	[spmem:s18] =	stream.linear.scatter [tilespmem:s12], [sflag:$0x7], $0x1400, $0x38;
	[tilespmem:$0x1D700] =	vst v63  }
0x9e: {  	_ =	swait.ge [sflag:s13], $0x1400  }
0x9f: {  	s22 =	sld [smem:$0x7FC]  }
0xa0: {  	[sflag:s13] =	ssyncset.done $0x0  }
0xa1: {  	[sflag:s13] =	ssyncadd.s32 $0xFFFFEC00  }
0xa2: {  	[spmem:s22] =	stream.linear.scatter [tilespmem:s12], [sflag:$0x7], $0x1400, $0x38;
	[tilespmem:$0x1D700] =	vst v63  }
0xa3: {  	_ =	swait.ge [sflag:s13], $0x1400  }
0xa4: {  	s9 =	sld [smem:$0x7FD]  }
0xa5: {  	[sflag:s13] =	ssyncset.done $0x0  }
0xa6: {  	[sflag:s13] =	ssyncadd.s32 $0xFFFFEC00  }
0xa7: {  	[spmem:s9] =	stream.linear.scatter [tilespmem:s14], [sflag:$0x7], $0x500, $0x38;
	[tilespmem:$0x1D700] =	vst v63  }
0xa8: {  	_ =	swait.ge [sflag:s13], $0x500  }
0xa9: {  	[sflag:s13] =	ssyncset.done $0x0  }
0xaa: {  	[sflag:s13] =	ssyncadd.s32 $0xFFFFFB00  }
0xab: {  	[bflag:$0x0] =	sbarrier.arrive $0xFFFF  }
0xac: {  	s10 =	rddreg [dreg:$0x7]  }
0xad: {  	s8 =	sadd.s32 $0x0, s10  }
0xae: {  	[tilespmem:s6], [sflag:$0x7] =	stream.linear.gather [hbm4b:s8+s6], $0x60, $0x38;
	[tilespmem:$0x1D700] =	vst v63  }
0xaf: {  	_ =	swait.ge [sflag:s13], $0x60  }
0xb0: {  	s11 =	rddreg [dreg:$0x8];
	[sflag:s13] =	ssyncset.done $0x0  }
0xb1: {  	[sflag:s13] =	ssyncadd.s32 $0xFFFFFFA0;
	s8 =	sadd.s32 $0x0, s11  }
0xb2: {  	[tilespmem:s15], [sflag:$0x7] =	stream.linear.gather [hbm4b:s8+s6], $0x60, $0x38;
	[tilespmem:$0x1D700] =	vst v63  }
0xb3: {  	_ =	swait.ge [sflag:s13], $0x60  }
0xb4: {  	[sflag:s13] =	ssyncset.done $0x0  }
0xb5: {  	[sflag:s13] =	ssyncadd.s32 $0xFFFFFFA0  }
0xb6: {  	v1 =	vld [tilespmem:$0x50]  }
0xb7: {  	v2 =	vld [tilespmem:$0x30]  }
0xb8: {  	v3 =	vld [tilespmem:$0x20];
	_ =	sdelay $0x2  }
0xb9: {  	v1 =	vshll.u32 v1, $0x1  }
0xba: {  	v4 =	vld [tilespmem:$0x40];
	v2 =	vshll.u32 v2, $0x1;
	[tilespmem:$0x110] =	vst v1  }
0xbb: {  	v5 =	vld [tilespmem:$0x0];
	v3 =	vshll.u32 v3, $0x1;
	[tilespmem:$0xF0] =	vst v2  }
0xbc: {  	v1 =	vor.u32 $0x1, v1;
	[tilespmem:$0xE0] =	vst v3  }
0xbd: {  	v3 =	vor.u32 $0x1, v3;
	[tilespmem:$0x170] =	vst v1  }
0xbe: {  	v6 =	vld [tilespmem:$0x10];
	v1 =	vor.u32 $0x1, v2;
	[tilespmem:$0x140] =	vst v3  }
0xbf: {  	v2 =	vshll.u32 v4, $0x1;
	[tilespmem:$0x150] =	vst v1  }
0xc0: {  	v1 =	vshll.u32 v5, $0x1;
	[tilespmem:$0x100] =	vst v2  }
0xc1: {  	v2 =	vor.u32 $0x1, v2;
	[tilespmem:$0xC0] =	vst v1  }
0xc2: {  	v61 =	vor.u32 $0x1, v1;
	[tilespmem:$0x160] =	vst v2  }
0xc3: {  	v1 =	vshll.u32 v6, $0x1;
	[tilespmem:$0x120] =	vst v61  }
0xc4: {  	s18 =	rddreg [dreg:$0xb];
	[tilespmem:$0xD0] =	vst v1;
	v1 =	vor.u32 $0x1, v1  }
0xc5: {  	s22 =	rddreg [dreg:$0xc];
	[tilespmem:$0x130] =	vst v1  }
0xc6: {  	[tilespmem:s12], [sflag:$0x1] =	stream.indirect.gather [hbm4b:s0+s15], $0x40, s18, s15, $0xb8;
	[tilespmem:$0x1D700] =	vst v63  }
0xc7: {  	s9 =	rddreg [dreg:$0xa]  }
0xc8: {  	[tilespmem:s16], [sflag:$0x1] =	stream.indirect.gather [hbm4b:s0+s15], $0x40, s22, s15, $0xb8;
	[tilespmem:$0x1D700] =	vst v63  }
0xc9: {  	s18 =	rddreg [dreg:$0x19]  }
0xca: {  	[tilespmem:s14], [sflag:$0x2] =	stream.linear.gather [hbm4b:s18+s6], $0x600, $0x38;
	[tilespmem:$0x1D700] =	vst v63  }
0xcb: {  	s11 =	rddreg [dreg:$0xd];
	s8 =	sadd.s32 $0x0, s9  }
0xcc: {  	[tilespmem:s11], [sflag:$0x7] =	stream.linear.gather [hbm4b:s8+s6], $0x60, $0x38;
	[tilespmem:$0x1D700] =	vst v63  }
0xcd: {  	_ =	swait.ge [sflag:s13], $0x60  }
0xce: {  	s22 =	rddreg [dreg:$0x9];
	[sflag:s13] =	ssyncset.done $0x0  }
0xcf: {  	[sflag:s13] =	ssyncadd.s32 $0xFFFFFFA0;
	s8 =	sadd.s32 $0x0, s22  }
0xd0: {  	[tilespmem:s17], [sflag:$0x7] =	stream.linear.gather [hbm4b:s8+s6], $0x60, $0x38;
	[tilespmem:$0x1D700] =	vst v63  }
0xd1: {  	_ =	swait.ge [sflag:s13], $0x60  }
0xd2: {  	[sflag:s13] =	ssyncset.done $0x0  }
0xd3: {  	[sflag:s13] =	ssyncadd.s32 $0xFFFFFFA0  }
0xd4: {  	v1 =	vld [tilespmem:$0x37B0]  }
0xd5: {  	v2 =	vld [tilespmem:$0x3790]  }
0xd6: {  	v3 =	vld [tilespmem:$0x37A0];
	_ =	sdelay $0x2  }
0xd7: {  	v1 =	vshll.u32 v1, $0x1  }
0xd8: {  	v62 =	vld [tilespmem:$0x37D0];
	v2 =	vshll.u32 v2, $0x1;
	[tilespmem:$0x3870] =	vst v1  }
0xd9: {  	v63 =	vld [tilespmem:$0x37C0];
	v3 =	vshll.u32 v3, $0x1;
	[tilespmem:$0x3850] =	vst v2  }
0xda: {  	v2 =	vor.u32 $0x1, v2;
	[tilespmem:$0x3860] =	vst v3  }
0xdb: {  	v1 =	vor.u32 $0x1, v1;
	[tilespmem:$0x38B0] =	vst v2  }
0xdc: {  	v2 =	vor.u32 $0x1, v3;
	v3 =	vld [tilespmem:$0x3780];
	[tilespmem:$0x38D0] =	vst v1  }
0xdd: {  	v1 =	vshll.u32 v62, $0x1;
	[tilespmem:$0x38C0] =	vst v2  }
0xde: {  	v2 =	vshll.u32 v63, $0x1;
	[tilespmem:$0x3890] =	vst v1  }
0xdf: {  	v1 =	vor.u32 $0x1, v1;
	[tilespmem:$0x3880] =	vst v2  }
0xe0: {  	v2 =	vor.u32 $0x1, v2;
	[tilespmem:$0x38F0] =	vst v1  }
0xe1: {  	[tilespmem:$0x38E0] =	vst v2;
	v1 =	vshll.u32 v3, $0x1  }
0xe2: {  	v2 =	vor.u32 $0x1, v1;
	[tilespmem:$0x3840] =	vst v1  }
0xe3: {  	[tilespmem:$0x38A0] =	vst v2  }
0xe4: {  	[tilespmem:s20], [sflag:$0x4] =	stream.indirect.gather [hbm4b:s0+s15], $0x40, s19, s15, $0xb8;
	[tilespmem:$0x1D700] =	vst v63  }
0xe5: {  	_ = 	snop  }
0xe6: {  	[tilespmem:s23], [sflag:$0x4] =	stream.indirect.gather [hbm4b:s0+s15], $0x40, s21, s15, $0xb8;
	[tilespmem:$0x1D700] =	vst v63  }
0xe7: {  	s22 =	rddreg [dreg:$0x1d]  }
0xe8: {  	[tilespmem:s24], [sflag:$0x5] =	stream.linear.gather [hbm4b:s22+s6], $0x600, $0x38;
	[tilespmem:$0x1D700] =	vst v63  }
0xe9: {  	_ =	swait.ge [sflag:s25], $0x1800  }
0xea: {  	[sflag:s25] =	ssyncset.done $0x0  }
0xeb: {  	[sflag:s25] =	ssyncadd.s32 $0xFFFFE800  }
0xec: {  	[spmem:s2] =	stream.indirect.scatter.add.f32 [tilespmem:s12], [sflag:$0x3], $0x40, s15, s15, $0xb8;
	[tilespmem:$0x1D700] =	vst v63  }
0xed: {  	_ =	swait.ge [sflag:s25], $0x1800  }
0xee: {  	[sflag:s25] =	ssyncset.done $0x0  }
0xef: {  	[sflag:s25] =	ssyncadd.s32 $0xFFFFE800  }
0xf0: {  	[spmem:s4] =	stream.indirect.scatter.add.f32 [tilespmem:s16], [sflag:$0x3], $0x40, s15, s15, $0xb8;
	[tilespmem:$0x1D700] =	vst v63  }
0xf1: {  	_ =	swait.ge [sflag:s26], $0x600  }
0xf2: {  	[sflag:s26] =	ssyncset.done $0x0  }
0xf3: {  	[sflag:s26] =	ssyncadd.s32 $0xFFFFFA00  }
0xf4: {  	[spmem:s5] =	stream.indirect.scatter.add.f32 [tilespmem:s14], [sflag:$0x3], $0x10, s15, s15, $0xb8;
	[tilespmem:$0x1D700] =	vst v63  }
0xf5: {  	_ =	swait.ge [sflag:s28], $0x1800  }
0xf6: {  	[sflag:s28] =	ssyncset.done $0x0  }
0xf7: {  	[sflag:s28] =	ssyncadd.s32 $0xFFFFE800  }
0xf8: {  	[spmem:s2] =	stream.indirect.scatter.add.f32 [tilespmem:s20], [sflag:$0x6], $0x40, s17, s15, $0xb8;
	[tilespmem:$0x1D700] =	vst v63  }
0xf9: {  	_ =	swait.ge [sflag:s28], $0x1800  }
0xfa: {  	[sflag:s28] =	ssyncset.done $0x0  }
0xfb: {  	[sflag:s28] =	ssyncadd.s32 $0xFFFFE800  }
0xfc: {  	[spmem:s4] =	stream.indirect.scatter.add.f32 [tilespmem:s23], [sflag:$0x6], $0x40, s17, s15, $0xb8;
	[tilespmem:$0x1D700] =	vst v63  }
0xfd: {  	s8 =	simm.s32 $0x18;
	_ =	swait.ge [sflag:s29], $0x600  }
.LBB2_6:
0xfe: {  	[sflag:s29] =	ssyncset.done $0x0  }
0xff: {  	[sflag:s29] =	ssyncadd.s32 $0xFFFFFA00  }
0x100: {  	[spmem:s5] =	stream.indirect.scatter.add.f32 [tilespmem:s24], [sflag:$0x6], $0x10, s17, s15, $0xb8;
	[tilespmem:$0x1D700] =	vst v63  }
0x101: {  	_ =	swait.ge [sflag:s3], $0x1800  }
0x102: {  	[sflag:s3] =	ssyncset.done $0x0  }
0x103: {  	[sflag:s3] =	ssyncadd.s32 $0xFFFFE800  }
0x104: {  	_ =	swait.ge [sflag:s3], $0x1800  }
0x105: {  	[sflag:s3] =	ssyncset.done $0x0  }
0x106: {  	[sflag:s3] =	ssyncadd.s32 $0xFFFFE800  }
0x107: {  	_ =	swait.ge [sflag:s3], $0x600  }
0x108: {  	[sflag:s3] =	ssyncset.done $0x0  }
0x109: {  	[sflag:s3] =	ssyncadd.s32 $0xFFFFFA00  }
0x10a: {  	_ =	swait.ge [sflag:s1], $0x1800  }
0x10b: {  	[sflag:s1] =	ssyncset.done $0x0  }
0x10c: {  	[sflag:s1] =	ssyncadd.s32 $0xFFFFE800  }
0x10d: {  	_ =	swait.ge [sflag:s1], $0x1800  }
0x10e: {  	[sflag:s1] =	ssyncset.done $0x0  }
0x10f: {  	[sflag:s1] =	ssyncadd.s32 $0xFFFFE800  }
0x110: {  	_ =	swait.ge [sflag:s1], $0x600  }
0x111: {  	s10 =	smov.u32 s8;
	s9 =	rddreg [dreg:$0x7];
	[sflag:s1] =	ssyncset.done $0x0  }
0x112: {  	[sflag:s1] =	ssyncadd.s32 $0xFFFFFA00;
	s9 =	sadd.s32 s10, s9  }
0x113: {  	[tilespmem:s6], [sflag:$0x7] =	stream.linear.gather [hbm4b:s9+s6], $0x60, $0x38;
	[tilespmem:$0x1D700] =	vst v63  }
0x114: {  	_ =	swait.ge [sflag:s13], $0x60  }
0x115: {  	s11 =	rddreg [dreg:$0x8];
	[sflag:s13] =	ssyncset.done $0x0  }
0x116: {  	[sflag:s13] =	ssyncadd.s32 $0xFFFFFFA0;
	s9 =	sadd.s32 s10, s11  }
0x117: {  	[tilespmem:s15], [sflag:$0x7] =	stream.linear.gather [hbm4b:s9+s6], $0x60, $0x38;
	[tilespmem:$0x1D700] =	vst v63  }
0x118: {  	_ =	swait.ge [sflag:s13], $0x60  }
0x119: {  	[sflag:s13] =	ssyncset.done $0x0  }
0x11a: {  	[sflag:s13] =	ssyncadd.s32 $0xFFFFFFA0  }
0x11b: {  	v1 =	vld [tilespmem:$0x50]  }
0x11c: {  	v2 =	vld [tilespmem:$0x30]  }
0x11d: {  	v3 =	vld [tilespmem:$0x20]  }
0x11e: {  	v4 =	vld [tilespmem:$0x40];
	_ =	sdelay $0x1  }
0x11f: {  	v1 =	vshll.u32 v1, $0x1  }
0x120: {  	v2 =	vshll.u32 v2, $0x1;
	[tilespmem:$0x110] =	vst v1  }
0x121: {  	v3 =	vshll.u32 v3, $0x1;
	[tilespmem:$0xF0] =	vst v2  }
0x122: {  	v5 =	vld [tilespmem:$0x0];
	v4 =	vshll.u32 v4, $0x1;
	[tilespmem:$0xE0] =	vst v3  }
0x123: {  	v1 =	vor.u32 $0x1, v1;
	[tilespmem:$0x100] =	vst v4  }
0x124: {  	v6 =	vld [tilespmem:$0x10];
	v2 =	vor.u32 $0x1, v2;
	[tilespmem:$0x170] =	vst v1  }
0x125: {  	v7 =	vor.u32 $0x1, v3;
	v3 =	vor.u32 $0x1, v4;
	[tilespmem:$0x150] =	vst v2  }
0x126: {  	[tilespmem:$0x160] =	vst v3  }
0x127: {  	v1 =	vshll.u32 v5, $0x1;
	[tilespmem:$0x140] =	vst v7  }
0x128: {  	v5 =	vor.u32 $0x1, v1;
	[tilespmem:$0xC0] =	vst v1  }
0x129: {  	v1 =	vshll.u32 v6, $0x1;
	[tilespmem:$0x120] =	vst v5  }
0x12a: {  	v2 =	vor.u32 $0x1, v1;
	[tilespmem:$0xD0] =	vst v1  }
0x12b: {  	s9 =	rddreg [dreg:$0xb];
	[tilespmem:$0x130] =	vst v2  }
0x12c: {  	[tilespmem:s12], [sflag:$0x1] =	stream.indirect.gather [hbm4b:s0+s15], $0x40, s9, s15, $0xb8;
	[tilespmem:$0x1D700] =	vst v63  }
0x12d: {  	s11 =	rddreg [dreg:$0xc]  }
0x12e: {  	[tilespmem:s16], [sflag:$0x1] =	stream.indirect.gather [hbm4b:s0+s15], $0x40, s11, s15, $0xb8;
	[tilespmem:$0x1D700] =	vst v63  }
0x12f: {  	s18 =	sadd.s32 $0x180, s18;
	s9 =	rddreg [dreg:$0xa]  }
0x130: {  	[tilespmem:s14], [sflag:$0x2] =	stream.linear.gather [hbm4b:s18+s6], $0x600, $0x38;
	[tilespmem:$0x1D700] =	vst v63  }
0x131: {  	s9 =	sadd.s32 s10, s9;
	s11 =	rddreg [dreg:$0xd]  }
0x132: {  	[tilespmem:s11], [sflag:$0x7] =	stream.linear.gather [hbm4b:s9+s6], $0x60, $0x38;
	[tilespmem:$0x1D700] =	vst v63  }
0x133: {  	_ =	swait.ge [sflag:s13], $0x60  }
0x134: {  	s11 =	rddreg [dreg:$0x9];
	[sflag:s13] =	ssyncset.done $0x0  }
0x135: {  	[sflag:s13] =	ssyncadd.s32 $0xFFFFFFA0;
	s9 =	sadd.s32 s10, s11  }
0x136: {  	[tilespmem:s17], [sflag:$0x7] =	stream.linear.gather [hbm4b:s9+s6], $0x60, $0x38;
	[tilespmem:$0x1D700] =	vst v63  }
0x137: {  	_ =	swait.ge [sflag:s13], $0x60  }
0x138: {  	[sflag:s13] =	ssyncset.done $0x0  }
0x139: {  	[sflag:s13] =	ssyncadd.s32 $0xFFFFFFA0  }
0x13a: {  	v1 =	vld [tilespmem:$0x37B0]  }
0x13b: {  	v2 =	vld [tilespmem:$0x3790]  }
0x13c: {  	v3 =	vld [tilespmem:$0x37A0];
	_ =	sdelay $0x2  }
0x13d: {  	v1 =	vshll.u32 v1, $0x1  }
0x13e: {  	v60 =	vld [tilespmem:$0x37D0];
	v2 =	vshll.u32 v2, $0x1;
	[tilespmem:$0x3870] =	vst v1  }
0x13f: {  	v62 =	vld [tilespmem:$0x3780];
	v3 =	vshll.u32 v3, $0x1;
	[tilespmem:$0x3850] =	vst v2  }
0x140: {  	v61 =	vld [tilespmem:$0x37C0];
	v2 =	vor.u32 $0x1, v2;
	[tilespmem:$0x3860] =	vst v3  }
0x141: {  	v1 =	vor.u32 $0x1, v1;
	[tilespmem:$0x38B0] =	vst v2  }
0x142: {  	v2 =	vor.u32 $0x1, v3;
	[tilespmem:$0x38D0] =	vst v1  }
0x143: {  	v1 =	vshll.u32 v60, $0x1;
	[tilespmem:$0x38C0] =	vst v2  }
0x144: {  	v3 =	vshll.u32 v62, $0x1;
	[tilespmem:$0x3890] =	vst v1  }
0x145: {  	v2 =	vshll.u32 v61, $0x1;
	[tilespmem:$0x3840] =	vst v3  }
0x146: {  	v1 =	vor.u32 $0x1, v1;
	[tilespmem:$0x3880] =	vst v2  }
0x147: {  	v63 =	vor.u32 $0x1, v3;
	[tilespmem:$0x38F0] =	vst v1  }
0x148: {  	v2 =	vor.u32 $0x1, v2;
	[tilespmem:$0x38A0] =	vst v63  }
0x149: {  	[tilespmem:$0x38E0] =	vst v2  }
0x14a: {  	[tilespmem:s20], [sflag:$0x4] =	stream.indirect.gather [hbm4b:s0+s15], $0x40, s19, s15, $0xb8;
	[tilespmem:$0x1D700] =	vst v63  }
0x14b: {  	_ = 	snop  }
0x14c: {  	[tilespmem:s23], [sflag:$0x4] =	stream.indirect.gather [hbm4b:s0+s15], $0x40, s21, s15, $0xb8;
	[tilespmem:$0x1D700] =	vst v63  }
0x14d: {  	s22 =	sadd.s32 $0x180, s22  }
0x14e: {  	[tilespmem:s24], [sflag:$0x5] =	stream.linear.gather [hbm4b:s22+s6], $0x600, $0x38;
	[tilespmem:$0x1D700] =	vst v63  }
0x14f: {  	_ =	swait.ge [sflag:s25], $0x1800  }
0x150: {  	[sflag:s25] =	ssyncset.done $0x0  }
0x151: {  	[sflag:s25] =	ssyncadd.s32 $0xFFFFE800  }
0x152: {  	[spmem:s2] =	stream.indirect.scatter.add.f32 [tilespmem:s12], [sflag:$0x3], $0x40, s15, s15, $0xb8;
	[tilespmem:$0x1D700] =	vst v63  }
0x153: {  	_ =	swait.ge [sflag:s25], $0x1800  }
0x154: {  	[sflag:s25] =	ssyncset.done $0x0  }
0x155: {  	[sflag:s25] =	ssyncadd.s32 $0xFFFFE800  }
0x156: {  	[spmem:s4] =	stream.indirect.scatter.add.f32 [tilespmem:s16], [sflag:$0x3], $0x40, s15, s15, $0xb8;
	[tilespmem:$0x1D700] =	vst v63  }
0x157: {  	_ =	swait.ge [sflag:s26], $0x600  }
0x158: {  	[sflag:s26] =	ssyncset.done $0x0  }
0x159: {  	[sflag:s26] =	ssyncadd.s32 $0xFFFFFA00  }
0x15a: {  	[spmem:s5] =	stream.indirect.scatter.add.f32 [tilespmem:s14], [sflag:$0x3], $0x10, s15, s15, $0xb8;
	[tilespmem:$0x1D700] =	vst v63  }
0x15b: {  	_ =	swait.ge [sflag:s28], $0x1800  }
0x15c: {  	[sflag:s28] =	ssyncset.done $0x0  }
0x15d: {  	p0 =	sne.s32 s8, $0x4E0;
	[sflag:s28] =	ssyncadd.s32 $0xFFFFE800  }
0x15e: {  	[spmem:s2] =	stream.indirect.scatter.add.f32 [tilespmem:s20], [sflag:$0x6], $0x40, s17, s15, $0xb8;
	[tilespmem:$0x1D700] =	vst v63  }
.Ltmp2:
0x15f: {  	_ =	swait.ge [sflag:s28], $0x1800;
	(pc) =	sbr.rel @p0 .LBB2_6-.Ltmp2, $4  }
0x160: {  	[sflag:s28] =	ssyncset.done $0x0  }
0x161: {  	[sflag:s28] =	ssyncadd.s32 $0xFFFFE800  }
0x162: {  	[spmem:s4] =	stream.indirect.scatter.add.f32 [tilespmem:s23], [sflag:$0x6], $0x40, s17, s15, $0xb8;
	[tilespmem:$0x1D700] =	vst v63  }
0x163: {  	s8 =	sadd.s32 $0x18, s8;
	_ =	swait.ge [sflag:s29], $0x600  }
0x164: {  	[sflag:s29] =	ssyncset.done $0x0  }
0x165: {  	[sflag:s29] =	ssyncadd.s32 $0xFFFFFA00  }
0x166: {  	[spmem:s5] =	stream.indirect.scatter.add.f32 [tilespmem:s24], [sflag:$0x6], $0x10, s17, s15, $0xb8;
	[tilespmem:$0x1D700] =	vst v63  }
0x167: {  	_ =	swait.ge [sflag:s3], $0x1800  }
0x168: {  	[sflag:s3] =	ssyncset.done $0x0  }
0x169: {  	[sflag:s3] =	ssyncadd.s32 $0xFFFFE800  }
0x16a: {  	_ =	swait.ge [sflag:s3], $0x1800  }
0x16b: {  	[sflag:s3] =	ssyncset.done $0x0  }
0x16c: {  	[sflag:s3] =	ssyncadd.s32 $0xFFFFE800  }
0x16d: {  	_ =	swait.ge [sflag:s3], $0x600  }
0x16e: {  	[sflag:s3] =	ssyncset.done $0x0  }
0x16f: {  	[sflag:s3] =	ssyncadd.s32 $0xFFFFFA00  }
0x170: {  	_ =	swait.ge [sflag:s1], $0x1800  }
0x171: {  	[sflag:s1] =	ssyncset.done $0x0  }
0x172: {  	[sflag:s1] =	ssyncadd.s32 $0xFFFFE800  }
0x173: {  	_ =	swait.ge [sflag:s1], $0x1800  }
0x174: {  	[sflag:s1] =	ssyncset.done $0x0  }
0x175: {  	[sflag:s1] =	ssyncadd.s32 $0xFFFFE800  }
0x176: {  	_ =	swait.ge [sflag:s1], $0x600  }
0x177: {  	[sflag:s1] =	ssyncset.done $0x0  }
0x178: {  	s8 =	stileid.u32;
	[sflag:s1] =	ssyncadd.s32 $0xFFFFFA00  }
0x179: {  	s8 =	sshll.u32 s8, $0x6;
	[bflag:$0x0] =	sbarrier.arrive $0xFFFF  }
0x17a: {  	s9 =	sshrl.u32 s30, $0x3;
	s8 =	sor.u32 $0x1C07, s8;
	s10 =	rddreg [dreg:$0xe]  }
0x17b: {  	[hbm:s10], [sflag:s8] =	dma.local [spmem:s9], $0x1400  }
0x17c: {  	_ =	swait.ge [sflag:s13], $0x1400  }
0x17d: {  	[sflag:s13] =	ssyncset.done $0x0  }
0x17e: {  	s18 =	sshrl.u32 s31, $0x3;
	s22 =	rddreg [dreg:$0xf];
	[sflag:s13] =	ssyncadd.s32 $0xFFFFEC00  }
0x17f: {  	[hbm:s22], [sflag:s8] =	dma.local [spmem:s18], $0x1400  }
0x180: {  	_ =	swait.ge [sflag:s13], $0x1400  }
0x181: {  	[sflag:s13] =	ssyncset.done $0x0;
	s11 =	rddreg [dreg:$0x11]  }
0x182: {  	s18 =	rddreg [dreg:$0x10];
	[sflag:s13] =	ssyncadd.s32 $0xFFFFEC00;
	s9 =	sshrl.u32 s11, $0x3  }
0x183: {  	[hbm:s18], [sflag:s8] =	dma.local [spmem:s9], $0x500  }
0x184: {  	_ =	swait.ge [sflag:s13], $0x500  }
0x185: {  	s7 =	sadd.s32 $0x1, s7;
	s22 =	rddreg [dreg:$0x12]  }
0x186: {  	p0 =	sne.s32 s7, s22  }
.Ltmp3:
0x187: {  	_ = 	snop;
	(pc) =	sbr.rel @p0 .LBB2_1-.Ltmp3, $3  }
0x188: {  	_ =	sdelay $0x1  }
0x189: {  	[sflag:s13] =	ssyncset.done $0x0  }
0x18a: {  	[sflag:s13] =	ssyncadd.s32 $0xFFFFFB00  }
0x18b: {  	_ =	sfence.sel $0x180000  }
0x18c: {  	[bflag:$0x0] =	sbarrier.arrive $0xFFFF  }
0x18d: {  	_ =	strace $0x90000047  }
0x18e: {  	s0 =	stileid.u32;
	[bflag:$0x2] =	sbarrier.arrive $0xFFFF  }
0x18f: {  	p0 =	sne.s32 s0, $0x0;
	s0 =	rddreg [dreg:$0x6]  }
0x190: {  	s0 =	sadd.s32 @!p0 $0x100000, s0  }
0x191: {  	[sflag:s0] =	ssyncadd.tile.s32 @!p0 $0x1;
	_ =	shalt  }
.Lfunc_end2:
_tile_overlayer_lowered:
.L_overlay_start_2:
0x192: {  	(tag) =	ssettag $0x2  }
0x193: {  	s0 =	rddreg [dreg:$0x0];
	s2 =	stileid.u32  }
0x194: {  	s1 =	rddreg [dreg:$0x1];
	p0 =	sne.s32 s2, $0x0  }
0x195: {  	s3 =	rddreg [dreg:$0x2];
	[bflag:$0x3] =	sbarrier.arrive $0xFFFF;
	s2 =	simm.s32 @!p0 $0x1C07  }
0x196: {  	[timem:s3], [sflag:s2] =	dma.local @!p0 [hbm:s0], s1  }
0x197: {  	s0 =	simm.s32 @!p0 $0x7  }
0x198: {  	_ =	swait.ge @!p0 [sflag:s0], s1  }
0x199: {  	s1 =	ssub.s32 @!p0 $0x0, s1;
	[sflag:s0] =	ssyncset.done @!p0 $0x0  }
0x19a: {  	[sflag:s0] =	ssyncadd.s32 @!p0 s1  }
0x19b: {  	[bflag:$0x3] =	sbarrier.arrive $0xFFFF  }
0x19c: {  	_ =	shalt  }

</sc_bundles>
